<compile_context>
chip_gen: v7x
topology: tpu7x:2x2x1
jax: 0.10.2.dev20260603
libtpu: 0.0.44.dev20260713+nightly
codegen_flags: <defaults>
</compile_context>

<pallas_src>
import functools
import math

import jax
import jax.numpy as jnp
from jax import lax
from jax.experimental import pallas as pl
from jax.experimental.pallas import tpu as pltpu
from jax.experimental.pallas import tpu_sc as plsc

D_MODEL = 128
SCALE = math.sqrt(float(D_MODEL))
NUM_CORES = 2
NUM_SUBCORES = 16
NUM_WORKERS = NUM_CORES * NUM_SUBCORES
LANES = 16
CHUNK = 128
NBUF = 5


def _make_sc_kernel(n_chunks: int, total_rows: int):
    assert n_chunks % NBUF == 0
    per_worker = n_chunks * CHUNK
    mesh = plsc.VectorSubcoreMesh(
        core_axis_name="c", subcore_axis_name="s",
        num_cores=NUM_CORES, num_subcores=NUM_SUBCORES)

    @functools.partial(
        pl.kernel,
        out_type=jax.ShapeDtypeStruct((total_rows, D_MODEL), jnp.float32),
        mesh=mesh,
        scratch_types=[
            pltpu.VMEM((n_chunks, CHUNK), jnp.int32),
            pltpu.VMEM((NBUF, CHUNK, D_MODEL), jnp.float32),
            pltpu.SemaphoreType.DMA((NBUF,)),
            pltpu.SemaphoreType.DMA((NBUF,)),
        ],
    )
    def sc_kernel(idx_hbm, table_hbm, out_hbm, idx_v, bufs, gsem, ssem):
        wid = lax.axis_index("s") * NUM_CORES + lax.axis_index("c")
        pltpu.sync_copy(idx_hbm.at[wid], idx_v)

        def gather(j, b):
            return pltpu.make_async_copy(
                table_hbm.at[idx_v.at[j]], bufs.at[b], gsem.at[b])

        def scatter(j, b):
            return pltpu.make_async_copy(
                bufs.at[b],
                out_hbm.at[pl.ds((j * NUM_WORKERS + wid) * CHUNK, CHUNK)],
                ssem.at[b])

        for b in range(NBUF - 1):
            gather(b, b).start()

        def outer(g, carry):
            j0 = g * NBUF
            for t in range(NBUF):
                j = j0 + t
                bn = (t + NBUF - 1) % NBUF
                jn = j + NBUF - 1

                @pl.when(jn < n_chunks)
                def _():
                    @pl.when(jn >= NBUF)
                    def _():
                        scatter(jn - NBUF, bn).wait()
                    gather(jn, bn).start()

                gather(j, t).wait()

                @plsc.parallel_loop(0, CHUNK, step=1, unroll=4)
                def _(i):
                    for l in range(D_MODEL // LANES):
                        s = pl.ds(l * LANES, LANES)
                        bufs[t, i, s] = bufs[t, i, s] * SCALE

                scatter(j, t).start()
            return carry

        lax.fori_loop(0, n_chunks // NBUF, outer, 0)

        for b in range(NBUF):
            scatter(n_chunks - NBUF + b, b).wait()

    return sc_kernel


def kernel(x, table):
    rows, cols = x.shape
    total = rows * cols
    n_chunks = total // (NUM_WORKERS * CHUNK)
    idx = (x.reshape(n_chunks, NUM_WORKERS, CHUNK)
           .transpose(1, 0, 2).astype(jnp.int32))
    out = _make_sc_kernel(n_chunks, total)(idx, table)
    return out.reshape(rows, cols, D_MODEL)

# --- scband reference (transcript-rebuilt; emitter-appended) ---
"""Pipeline reference for scband-embedder-2061584302641 (READ-ONLY COPY).

The authoritative reference and input builder live on the scoring server;
editing this copy changes nothing except your own understanding.
"""

import jax, jax.numpy as jnp
import numpy as np
import math

D_MODEL = 128
VOCAB_SIZE = 100000

def setup_inputs(seed: int = 0) -> dict:
    key = jax.random.key(seed)
    k1, k2 = jax.random.split(key)
    x = jax.random.randint(k1, (1024, 200), 0, VOCAB_SIZE, dtype=jnp.int64 if jax.config.jax_enable_x64 else jnp.int32)
    table = jax.random.normal(k2, (VOCAB_SIZE, D_MODEL), dtype=jnp.float32)
    return {"x": x, "table": table}

def reference(x, table):
    # nn.Embedding lookup followed by scaling with sqrt(d_model)
    emb = jnp.take(table, x, axis=0)
    return emb * math.sqrt(D_MODEL)

if __name__ == "__main__":
    import jax
    _d = setup_inputs()
    print(jax.jit(kernel)(*tuple(_d.values())))

</pallas_src>

<mosaic_0001>
#map = affine_map<(d0, d1) -> (0, 0, 0)>
#map1 = affine_map<(d0, d1) -> (0, 0)>
module attributes {stable_mosaic.version = 14 : i64} {
  func.func @sc_kernel(%arg0: i32, %arg1: i32, %arg2: memref<32x50x128xi32, #tpu.memory_space<hbm>>, %arg3: memref<100000x128xf32, #tpu.memory_space<hbm>>, %arg4: memref<204800x128xf32, #tpu.memory_space<hbm>>, %arg5: memref<50x128xi32, #tpu.memory_space<vmem>>, %arg6: memref<5x128x128xf32, #tpu.memory_space<vmem>>, %arg7: memref<5x!tpu.dma_semaphore, #tpu.memory_space<semaphore_mem>>, %arg8: memref<5x!tpu.dma_semaphore, #tpu.memory_space<semaphore_mem>>) attributes {dimension_semantics = [#tpu.dimension_semantics<core_parallel>, #tpu.dimension_semantics<subcore_parallel>], iteration_bounds = array<i64: 2, 16>, scalar_prefetch = 0 : i64, scratch_operands = 4 : i64, tpu.core_type = #tpu.core_type<sc_vector_subcore>, window_params = [{transform_indices = #map}, {transform_indices = #map1}, {transform_indices = #map1}]} {
    %mul3A = arith.constant 2 : i32
    %mul3A_0 = arith.muli %arg1, %mul3A : i32
    %add3A = arith.addi %mul3A_0, %arg0 : i32
    "tpu.region"() ({
      %run_scoped3A = tpu.sem_alloc : memref<!tpu.dma_semaphore, #tpu.memory_space<semaphore_mem>>
      %dma_start3A_164 = arith.constant 0 : i32
      %dma_start3A_165 = arith.constant 0 : i32
      %dma_start3A_166 = tpu.memref_slice %arg2[%add3A, %dma_start3A_164, %dma_start3A_165] : memref<32x50x128xi32, #tpu.memory_space<hbm>> -> memref<1x50x128xi32, #tpu.memory_space<hbm>>
      %dma_start3A_167 = tpu.memref_squeeze %dma_start3A_166 : memref<1x50x128xi32, #tpu.memory_space<hbm>> -> memref<50x128xi32, #tpu.memory_space<hbm>>
      %dma_start3A_168 = arith.constant 0 : i32
      %dma_start3A_169 = arith.constant 0 : i32
      %dma_start3A_170 = tpu.memref_slice %arg2[%add3A, %dma_start3A_168, %dma_start3A_169] : memref<32x50x128xi32, #tpu.memory_space<hbm>> -> memref<1x50x128xi32, #tpu.memory_space<hbm>>
      %dma_start3A_171 = tpu.memref_squeeze %dma_start3A_170 : memref<1x50x128xi32, #tpu.memory_space<hbm>> -> memref<50x128xi32, #tpu.memory_space<hbm>>
      tpu.enqueue_dma source(%dma_start3A_171 : memref<50x128xi32, #tpu.memory_space<hbm>>) target(%arg5 : memref<50x128xi32, #tpu.memory_space<vmem>>) target_semaphore(%run_scoped3A : memref<!tpu.dma_semaphore, #tpu.memory_space<semaphore_mem>>)
      %dma_wait3A_172 = arith.constant 0 : i32
      %dma_wait3A_173 = arith.constant 0 : i32
      %dma_wait3A_174 = tpu.memref_slice %arg2[%add3A, %dma_wait3A_172, %dma_wait3A_173] : memref<32x50x128xi32, #tpu.memory_space<hbm>> -> memref<1x50x128xi32, #tpu.memory_space<hbm>>
      %dma_wait3A_175 = tpu.memref_squeeze %dma_wait3A_174 : memref<1x50x128xi32, #tpu.memory_space<hbm>> -> memref<50x128xi32, #tpu.memory_space<hbm>>
      %dma_wait3A_176 = arith.constant 0 : i32
      %dma_wait3A_177 = arith.constant 0 : i32
      %dma_wait3A_178 = tpu.memref_slice %arg2[%add3A, %dma_wait3A_176, %dma_wait3A_177] : memref<32x50x128xi32, #tpu.memory_space<hbm>> -> memref<1x50x128xi32, #tpu.memory_space<hbm>>
      %dma_wait3A_179 = tpu.memref_squeeze %dma_wait3A_178 : memref<1x50x128xi32, #tpu.memory_space<hbm>> -> memref<50x128xi32, #tpu.memory_space<hbm>>
      tpu.wait_dma2 semaphore(%run_scoped3A : memref<!tpu.dma_semaphore, #tpu.memory_space<semaphore_mem>>) src(%dma_wait3A_179 : memref<50x128xi32, #tpu.memory_space<hbm>>) dst(%arg5 : memref<50x128xi32, #tpu.memory_space<vmem>>)
      tpu.yield
    }) : () -> ()
    %dma_start3A = arith.constant 0 : i32
    %dma_start3A_1 = arith.constant 0 : i32
    %dma_start3A_2 = arith.constant 0 : i32
    %dma_start3A_3 = arith.constant 0 : i32
    %dma_start3A_4 = arith.constant 0 : i32
    %dma_start3A_5 = tpu.memref_slice %arg6[%dma_start3A_1, %dma_start3A_3, %dma_start3A_4] : memref<5x128x128xf32, #tpu.memory_space<vmem>> -> memref<1x128x128xf32, #tpu.memory_space<vmem>>
    %dma_start3A_6 = tpu.memref_squeeze %dma_start3A_5 : memref<1x128x128xf32, #tpu.memory_space<vmem>> -> memref<128x128xf32, #tpu.memory_space<vmem>>
    %dma_start3A_7 = arith.constant 0 : i32
    %dma_start3A_8 = tpu.memref_slice %arg5[%dma_start3A, %dma_start3A_7] : memref<50x128xi32, #tpu.memory_space<vmem>> -> memref<1x128xi32, #tpu.memory_space<vmem>>
    %dma_start3A_9 = tpu.memref_squeeze %dma_start3A_8 : memref<1x128xi32, #tpu.memory_space<vmem>> -> memref<128xi32, #tpu.memory_space<vmem>>
    %dma_start3A_10 = arith.constant 0 : i32
    %dma_start3A_11 = arith.constant 0 : i32
    %dma_start3A_12 = tpu.memref_slice %arg3[%dma_start3A_10, %dma_start3A_11] : memref<100000x128xf32, #tpu.memory_space<hbm>> -> memref<100000x128xf32, #tpu.memory_space<hbm>>
    %dma_start3A_13 = tpu.memref_slice %arg7[%dma_start3A_2] : memref<5x!tpu.dma_semaphore, #tpu.memory_space<semaphore_mem>> -> memref<1x!tpu.dma_semaphore, #tpu.memory_space<semaphore_mem>>
    %dma_start3A_14 = tpu.memref_squeeze %dma_start3A_13 : memref<1x!tpu.dma_semaphore, #tpu.memory_space<semaphore_mem>> -> memref<!tpu.dma_semaphore, #tpu.memory_space<semaphore_mem>>
    tpu.enqueue_indirect_dma source(%dma_start3A_12 : memref<100000x128xf32, #tpu.memory_space<hbm>>) target(%dma_start3A_6 : memref<128x128xf32, #tpu.memory_space<vmem>>) offsets(%dma_start3A_9 : memref<128xi32, #tpu.memory_space<vmem>>) semaphore(%dma_start3A_14 : memref<!tpu.dma_semaphore, #tpu.memory_space<semaphore_mem>>)
    %dma_start3A_15 = arith.constant 1 : i32
    %dma_start3A_16 = arith.constant 1 : i32
    %dma_start3A_17 = arith.constant 1 : i32
    %dma_start3A_18 = arith.constant 0 : i32
    %dma_start3A_19 = arith.constant 0 : i32
    %dma_start3A_20 = tpu.memref_slice %arg6[%dma_start3A_16, %dma_start3A_18, %dma_start3A_19] : memref<5x128x128xf32, #tpu.memory_space<vmem>> -> memref<1x128x128xf32, #tpu.memory_space<vmem>>
    %dma_start3A_21 = tpu.memref_squeeze %dma_start3A_20 : memref<1x128x128xf32, #tpu.memory_space<vmem>> -> memref<128x128xf32, #tpu.memory_space<vmem>>
    %dma_start3A_22 = arith.constant 0 : i32
    %dma_start3A_23 = tpu.memref_slice %arg5[%dma_start3A_15, %dma_start3A_22] : memref<50x128xi32, #tpu.memory_space<vmem>> -> memref<1x128xi32, #tpu.memory_space<vmem>>
    %dma_start3A_24 = tpu.memref_squeeze %dma_start3A_23 : memref<1x128xi32, #tpu.memory_space<vmem>> -> memref<128xi32, #tpu.memory_space<vmem>>
    %dma_start3A_25 = arith.constant 0 : i32
    %dma_start3A_26 = arith.constant 0 : i32
    %dma_start3A_27 = tpu.memref_slice %arg3[%dma_start3A_25, %dma_start3A_26] : memref<100000x128xf32, #tpu.memory_space<hbm>> -> memref<100000x128xf32, #tpu.memory_space<hbm>>
    %dma_start3A_28 = tpu.memref_slice %arg7[%dma_start3A_17] : memref<5x!tpu.dma_semaphore, #tpu.memory_space<semaphore_mem>> -> memref<1x!tpu.dma_semaphore, #tpu.memory_space<semaphore_mem>>
    %dma_start3A_29 = tpu.memref_squeeze %dma_start3A_28 : memref<1x!tpu.dma_semaphore, #tpu.memory_space<semaphore_mem>> -> memref<!tpu.dma_semaphore, #tpu.memory_space<semaphore_mem>>
    tpu.enqueue_indirect_dma source(%dma_start3A_27 : memref<100000x128xf32, #tpu.memory_space<hbm>>) target(%dma_start3A_21 : memref<128x128xf32, #tpu.memory_space<vmem>>) offsets(%dma_start3A_24 : memref<128xi32, #tpu.memory_space<vmem>>) semaphore(%dma_start3A_29 : memref<!tpu.dma_semaphore, #tpu.memory_space<semaphore_mem>>)
    %dma_start3A_30 = arith.constant 2 : i32
    %dma_start3A_31 = arith.constant 2 : i32
    %dma_start3A_32 = arith.constant 2 : i32
    %dma_start3A_33 = arith.constant 0 : i32
    %dma_start3A_34 = arith.constant 0 : i32
    %dma_start3A_35 = tpu.memref_slice %arg6[%dma_start3A_31, %dma_start3A_33, %dma_start3A_34] : memref<5x128x128xf32, #tpu.memory_space<vmem>> -> memref<1x128x128xf32, #tpu.memory_space<vmem>>
    %dma_start3A_36 = tpu.memref_squeeze %dma_start3A_35 : memref<1x128x128xf32, #tpu.memory_space<vmem>> -> memref<128x128xf32, #tpu.memory_space<vmem>>
    %dma_start3A_37 = arith.constant 0 : i32
    %dma_start3A_38 = tpu.memref_slice %arg5[%dma_start3A_30, %dma_start3A_37] : memref<50x128xi32, #tpu.memory_space<vmem>> -> memref<1x128xi32, #tpu.memory_space<vmem>>
    %dma_start3A_39 = tpu.memref_squeeze %dma_start3A_38 : memref<1x128xi32, #tpu.memory_space<vmem>> -> memref<128xi32, #tpu.memory_space<vmem>>
    %dma_start3A_40 = arith.constant 0 : i32
    %dma_start3A_41 = arith.constant 0 : i32
    %dma_start3A_42 = tpu.memref_slice %arg3[%dma_start3A_40, %dma_start3A_41] : memref<100000x128xf32, #tpu.memory_space<hbm>> -> memref<100000x128xf32, #tpu.memory_space<hbm>>
    %dma_start3A_43 = tpu.memref_slice %arg7[%dma_start3A_32] : memref<5x!tpu.dma_semaphore, #tpu.memory_space<semaphore_mem>> -> memref<1x!tpu.dma_semaphore, #tpu.memory_space<semaphore_mem>>
    %dma_start3A_44 = tpu.memref_squeeze %dma_start3A_43 : memref<1x!tpu.dma_semaphore, #tpu.memory_space<semaphore_mem>> -> memref<!tpu.dma_semaphore, #tpu.memory_space<semaphore_mem>>
    tpu.enqueue_indirect_dma source(%dma_start3A_42 : memref<100000x128xf32, #tpu.memory_space<hbm>>) target(%dma_start3A_36 : memref<128x128xf32, #tpu.memory_space<vmem>>) offsets(%dma_start3A_39 : memref<128xi32, #tpu.memory_space<vmem>>) semaphore(%dma_start3A_44 : memref<!tpu.dma_semaphore, #tpu.memory_space<semaphore_mem>>)
    %dma_start3A_45 = arith.constant 3 : i32
    %dma_start3A_46 = arith.constant 3 : i32
    %dma_start3A_47 = arith.constant 3 : i32
    %dma_start3A_48 = arith.constant 0 : i32
    %dma_start3A_49 = arith.constant 0 : i32
    %dma_start3A_50 = tpu.memref_slice %arg6[%dma_start3A_46, %dma_start3A_48, %dma_start3A_49] : memref<5x128x128xf32, #tpu.memory_space<vmem>> -> memref<1x128x128xf32, #tpu.memory_space<vmem>>
    %dma_start3A_51 = tpu.memref_squeeze %dma_start3A_50 : memref<1x128x128xf32, #tpu.memory_space<vmem>> -> memref<128x128xf32, #tpu.memory_space<vmem>>
    %dma_start3A_52 = arith.constant 0 : i32
    %dma_start3A_53 = tpu.memref_slice %arg5[%dma_start3A_45, %dma_start3A_52] : memref<50x128xi32, #tpu.memory_space<vmem>> -> memref<1x128xi32, #tpu.memory_space<vmem>>
    %dma_start3A_54 = tpu.memref_squeeze %dma_start3A_53 : memref<1x128xi32, #tpu.memory_space<vmem>> -> memref<128xi32, #tpu.memory_space<vmem>>
    %dma_start3A_55 = arith.constant 0 : i32
    %dma_start3A_56 = arith.constant 0 : i32
    %dma_start3A_57 = tpu.memref_slice %arg3[%dma_start3A_55, %dma_start3A_56] : memref<100000x128xf32, #tpu.memory_space<hbm>> -> memref<100000x128xf32, #tpu.memory_space<hbm>>
    %dma_start3A_58 = tpu.memref_slice %arg7[%dma_start3A_47] : memref<5x!tpu.dma_semaphore, #tpu.memory_space<semaphore_mem>> -> memref<1x!tpu.dma_semaphore, #tpu.memory_space<semaphore_mem>>
    %dma_start3A_59 = tpu.memref_squeeze %dma_start3A_58 : memref<1x!tpu.dma_semaphore, #tpu.memory_space<semaphore_mem>> -> memref<!tpu.dma_semaphore, #tpu.memory_space<semaphore_mem>>
    tpu.enqueue_indirect_dma source(%dma_start3A_57 : memref<100000x128xf32, #tpu.memory_space<hbm>>) target(%dma_start3A_51 : memref<128x128xf32, #tpu.memory_space<vmem>>) offsets(%dma_start3A_54 : memref<128xi32, #tpu.memory_space<vmem>>) semaphore(%dma_start3A_59 : memref<!tpu.dma_semaphore, #tpu.memory_space<semaphore_mem>>)
    %scan3A = arith.constant 0 : i32
    %scan3A_60 = arith.constant 0 : i32
    %scan3A_61 = arith.constant 10 : i32
    %scan3A_62 = arith.addi %scan3A_60, %scan3A_61 : i32
    %scan3A_63 = arith.constant 1 : i32
    scf.for %scan3A_164 = %scan3A_60 to %scan3A_62 step %scan3A_63  : i32 {
      %mul3A_165 = arith.constant 5 : i32
      %mul3A_166 = arith.muli %scan3A_164, %mul3A_165 : i32
      %add3A_167 = arith.constant 0 : i32
      %add3A_168 = arith.addi %mul3A_166, %add3A_167 : i32
      %add3A_169 = arith.constant 5 : i32
      %add3A_170 = arith.addi %add3A_168, %add3A_169 : i32
      %sub3A = arith.constant 1 : i32
      %sub3A_171 = arith.subi %add3A_170, %sub3A : i32
      %lt3A = arith.constant 50 : i32
      %lt3A_172 = arith.cmpi slt, %sub3A_171, %lt3A : i32
      %convert_element_type3A = arith.extui %lt3A_172 : i1 to i32
      %cond3A = arith.constant 0 : i32
      %cond3A_173 = arith.cmpi ne, %convert_element_type3A, %cond3A : i32
      scf.if %cond3A_173 {
        %ge3A = arith.constant 5 : i32
        %ge3A_407 = arith.cmpi sge, %sub3A_171, %ge3A : i32
        %convert_element_type3A_408 = arith.extui %ge3A_407 : i1 to i32
        %cond3A_409 = arith.constant 0 : i32
        %cond3A_410 = arith.cmpi ne, %convert_element_type3A_408, %cond3A_409 : i32
        scf.if %cond3A_410 {
          %sub3A_425 = arith.constant 5 : i32
          %sub3A_426 = arith.subi %sub3A_171, %sub3A_425 : i32
          %mul3A_427 = arith.constant 32 : i32
          %mul3A_428 = arith.muli %sub3A_426, %mul3A_427 : i32
          %add3A_429 = arith.addi %mul3A_428, %add3A : i32
          %mul3A_430 = arith.constant 128 : i32
          %mul3A_431 = arith.muli %add3A_429, %mul3A_430 : i32
          %dma_wait3A_432 = arith.constant 4 : i32
          %dma_wait3A_433 = arith.constant 4 : i32
          %dma_wait3A_434 = arith.constant 0 : i32
          %dma_wait3A_435 = arith.constant 0 : i32
          %dma_wait3A_436 = tpu.memref_slice %arg6[%dma_wait3A_432, %dma_wait3A_434, %dma_wait3A_435] : memref<5x128x128xf32, #tpu.memory_space<vmem>> -> memref<1x128x128xf32, #tpu.memory_space<vmem>>
          %dma_wait3A_437 = tpu.memref_squeeze %dma_wait3A_436 : memref<1x128x128xf32, #tpu.memory_space<vmem>> -> memref<128x128xf32, #tpu.memory_space<vmem>>
          %dma_wait3A_438 = arith.constant 0 : i32
          %dma_wait3A_439 = tpu.memref_slice %arg4[%mul3A_431, %dma_wait3A_438] : memref<204800x128xf32, #tpu.memory_space<hbm>> -> memref<128x128xf32, #tpu.memory_space<hbm>>
          %dma_wait3A_440 = tpu.memref_slice %arg8[%dma_wait3A_433] : memref<5x!tpu.dma_semaphore, #tpu.memory_space<semaphore_mem>> -> memref<1x!tpu.dma_semaphore, #tpu.memory_space<semaphore_mem>>
          %dma_wait3A_441 = tpu.memref_squeeze %dma_wait3A_440 : memref<1x!tpu.dma_semaphore, #tpu.memory_space<semaphore_mem>> -> memref<!tpu.dma_semaphore, #tpu.memory_space<semaphore_mem>>
          %dma_wait3A_442 = arith.constant 0 : i32
          %dma_wait3A_443 = tpu.memref_slice %arg4[%mul3A_431, %dma_wait3A_442] : memref<204800x128xf32, #tpu.memory_space<hbm>> -> memref<128x128xf32, #tpu.memory_space<hbm>>
          %dma_wait3A_444 = arith.constant 0 : i32
          %dma_wait3A_445 = arith.constant 0 : i32
          %dma_wait3A_446 = tpu.memref_slice %arg6[%dma_wait3A_432, %dma_wait3A_444, %dma_wait3A_445] : memref<5x128x128xf32, #tpu.memory_space<vmem>> -> memref<1x128x128xf32, #tpu.memory_space<vmem>>
          %dma_wait3A_447 = tpu.memref_squeeze %dma_wait3A_446 : memref<1x128x128xf32, #tpu.memory_space<vmem>> -> memref<128x128xf32, #tpu.memory_space<vmem>>
          tpu.wait_dma2 semaphore(%dma_wait3A_441 : memref<!tpu.dma_semaphore, #tpu.memory_space<semaphore_mem>>) src(%dma_wait3A_447 : memref<128x128xf32, #tpu.memory_space<vmem>>) dst(%dma_wait3A_443 : memref<128x128xf32, #tpu.memory_space<hbm>>)
        } else {
        }
        %dma_start3A_411 = arith.constant 4 : i32
        %dma_start3A_412 = arith.constant 4 : i32
        %dma_start3A_413 = arith.constant 0 : i32
        %dma_start3A_414 = arith.constant 0 : i32
        %dma_start3A_415 = tpu.memref_slice %arg6[%dma_start3A_411, %dma_start3A_413, %dma_start3A_414] : memref<5x128x128xf32, #tpu.memory_space<vmem>> -> memref<1x128x128xf32, #tpu.memory_space<vmem>>
        %dma_start3A_416 = tpu.memref_squeeze %dma_start3A_415 : memref<1x128x128xf32, #tpu.memory_space<vmem>> -> memref<128x128xf32, #tpu.memory_space<vmem>>
        %dma_start3A_417 = arith.constant 0 : i32
        %dma_start3A_418 = tpu.memref_slice %arg5[%sub3A_171, %dma_start3A_417] : memref<50x128xi32, #tpu.memory_space<vmem>> -> memref<1x128xi32, #tpu.memory_space<vmem>>
        %dma_start3A_419 = tpu.memref_squeeze %dma_start3A_418 : memref<1x128xi32, #tpu.memory_space<vmem>> -> memref<128xi32, #tpu.memory_space<vmem>>
        %dma_start3A_420 = arith.constant 0 : i32
        %dma_start3A_421 = arith.constant 0 : i32
        %dma_start3A_422 = tpu.memref_slice %arg3[%dma_start3A_420, %dma_start3A_421] : memref<100000x128xf32, #tpu.memory_space<hbm>> -> memref<100000x128xf32, #tpu.memory_space<hbm>>
        %dma_start3A_423 = tpu.memref_slice %arg7[%dma_start3A_412] : memref<5x!tpu.dma_semaphore, #tpu.memory_space<semaphore_mem>> -> memref<1x!tpu.dma_semaphore, #tpu.memory_space<semaphore_mem>>
        %dma_start3A_424 = tpu.memref_squeeze %dma_start3A_423 : memref<1x!tpu.dma_semaphore, #tpu.memory_space<semaphore_mem>> -> memref<!tpu.dma_semaphore, #tpu.memory_space<semaphore_mem>>
        tpu.enqueue_indirect_dma source(%dma_start3A_422 : memref<100000x128xf32, #tpu.memory_space<hbm>>) target(%dma_start3A_416 : memref<128x128xf32, #tpu.memory_space<vmem>>) offsets(%dma_start3A_419 : memref<128xi32, #tpu.memory_space<vmem>>) semaphore(%dma_start3A_424 : memref<!tpu.dma_semaphore, #tpu.memory_space<semaphore_mem>>)
      } else {
      }
      %dma_wait3A_174 = arith.constant 0 : i32
      %dma_wait3A_175 = arith.constant 0 : i32
      %dma_wait3A_176 = arith.constant 0 : i32
      %dma_wait3A_177 = arith.constant 0 : i32
      %dma_wait3A_178 = tpu.memref_slice %arg6[%dma_wait3A_174, %dma_wait3A_176, %dma_wait3A_177] : memref<5x128x128xf32, #tpu.memory_space<vmem>> -> memref<1x128x128xf32, #tpu.memory_space<vmem>>
      %dma_wait3A_179 = tpu.memref_squeeze %dma_wait3A_178 : memref<1x128x128xf32, #tpu.memory_space<vmem>> -> memref<128x128xf32, #tpu.memory_space<vmem>>
      %dma_wait3A_180 = arith.constant 0 : i32
      %dma_wait3A_181 = tpu.memref_slice %arg5[%add3A_168, %dma_wait3A_180] : memref<50x128xi32, #tpu.memory_space<vmem>> -> memref<1x128xi32, #tpu.memory_space<vmem>>
      %dma_wait3A_182 = tpu.memref_squeeze %dma_wait3A_181 : memref<1x128xi32, #tpu.memory_space<vmem>> -> memref<128xi32, #tpu.memory_space<vmem>>
      %dma_wait3A_183 = arith.constant 0 : i32
      %dma_wait3A_184 = arith.constant 0 : i32
      %dma_wait3A_185 = tpu.memref_slice %arg3[%dma_wait3A_183, %dma_wait3A_184] : memref<100000x128xf32, #tpu.memory_space<hbm>> -> memref<100000x128xf32, #tpu.memory_space<hbm>>
      %dma_wait3A_186 = tpu.memref_slice %arg7[%dma_wait3A_175] : memref<5x!tpu.dma_semaphore, #tpu.memory_space<semaphore_mem>> -> memref<1x!tpu.dma_semaphore, #tpu.memory_space<semaphore_mem>>
      %dma_wait3A_187 = tpu.memref_squeeze %dma_wait3A_186 : memref<1x!tpu.dma_semaphore, #tpu.memory_space<semaphore_mem>> -> memref<!tpu.dma_semaphore, #tpu.memory_space<semaphore_mem>>
      tpu.wait_indirect_dma semaphore(%dma_wait3A_187 : memref<!tpu.dma_semaphore, #tpu.memory_space<semaphore_mem>>) src(%dma_wait3A_185 : memref<100000x128xf32, #tpu.memory_space<hbm>>) dst(%dma_wait3A_179 : memref<128x128xf32, #tpu.memory_space<vmem>>)
      %parallel_loop3A = arith.constant 0 : i32
      %parallel_loop3A_188 = arith.constant 128 : i32
      %parallel_loop3A_189 = arith.constant 1 : i32
      scf.for %parallel_loop3A_407 = %parallel_loop3A to %parallel_loop3A_188 step %parallel_loop3A_189  : i32 {
        %parallel_loop3A_408 = arith.constant 0 : i32
        %parallel_loop3A_409 = arith.index_cast %parallel_loop3A_408 : i32 to index
        %parallel_loop3A_410 = arith.index_cast %parallel_loop3A_407 : i32 to index
        %parallel_loop3A_411 = arith.constant 0 : index
        %parallel_loop3A_412 = tpu.vector_load %arg6[%parallel_loop3A_409, %parallel_loop3A_410, %parallel_loop3A_411] {strides = array<i32>} : memref<5x128x128xf32, #tpu.memory_space<vmem>>, vector<1x1x16xf32>,
        %parallel_loop3A_413 = vector.shape_cast %parallel_loop3A_412 : vector<1x1x16xf32> to vector<16xf32>
        %parallel_loop3A_414 = arith.constant 11.3137083 : f32
        %parallel_loop3A_415 = vector.broadcast %parallel_loop3A_414 : f32 to vector<16xf32>
        %parallel_loop3A_416 = arith.mulf %parallel_loop3A_413, %parallel_loop3A_415 : vector<16xf32>
        %parallel_loop3A_417 = arith.constant 0 : i32
        %parallel_loop3A_418 = arith.index_cast %parallel_loop3A_417 : i32 to index
        %parallel_loop3A_419 = arith.index_cast %parallel_loop3A_407 : i32 to index
        %parallel_loop3A_420 = arith.constant 0 : index
        %parallel_loop3A_421 = tpu.vector_load %arg6[%parallel_loop3A_418, %parallel_loop3A_419, %parallel_loop3A_420] {strides = array<i32>} : memref<5x128x128xf32, #tpu.memory_space<vmem>>, vector<1x1x16xf32>,
        %parallel_loop3A_422 = vector.shape_cast %parallel_loop3A_421 : vector<1x1x16xf32> to vector<16xf32>
        %parallel_loop3A_423 = vector.shape_cast %parallel_loop3A_416 : vector<16xf32> to vector<1x1x16xf32>
        tpu.vector_store %arg6[%parallel_loop3A_418, %parallel_loop3A_419, %parallel_loop3A_420], %parallel_loop3A_423 {strides = array<i32>} : memref<5x128x128xf32, #tpu.memory_space<vmem>>, vector<1x1x16xf32>,
        %parallel_loop3A_424 = arith.constant 0 : i32
        %parallel_loop3A_425 = arith.index_cast %parallel_loop3A_424 : i32 to index
        %parallel_loop3A_426 = arith.index_cast %parallel_loop3A_407 : i32 to index
        %parallel_loop3A_427 = arith.constant 16 : index
        %parallel_loop3A_428 = tpu.vector_load %arg6[%parallel_loop3A_425, %parallel_loop3A_426, %parallel_loop3A_427] {strides = array<i32>} : memref<5x128x128xf32, #tpu.memory_space<vmem>>, vector<1x1x16xf32>,
        %parallel_loop3A_429 = vector.shape_cast %parallel_loop3A_428 : vector<1x1x16xf32> to vector<16xf32>
        %parallel_loop3A_430 = arith.constant 11.3137083 : f32
        %parallel_loop3A_431 = vector.broadcast %parallel_loop3A_430 : f32 to vector<16xf32>
        %parallel_loop3A_432 = arith.mulf %parallel_loop3A_429, %parallel_loop3A_431 : vector<16xf32>
        %parallel_loop3A_433 = arith.constant 0 : i32
        %parallel_loop3A_434 = arith.index_cast %parallel_loop3A_433 : i32 to index
        %parallel_loop3A_435 = arith.index_cast %parallel_loop3A_407 : i32 to index
        %parallel_loop3A_436 = arith.constant 16 : index
        %parallel_loop3A_437 = tpu.vector_load %arg6[%parallel_loop3A_434, %parallel_loop3A_435, %parallel_loop3A_436] {strides = array<i32>} : memref<5x128x128xf32, #tpu.memory_space<vmem>>, vector<1x1x16xf32>,
        %parallel_loop3A_438 = vector.shape_cast %parallel_loop3A_437 : vector<1x1x16xf32> to vector<16xf32>
        %parallel_loop3A_439 = vector.shape_cast %parallel_loop3A_432 : vector<16xf32> to vector<1x1x16xf32>
        tpu.vector_store %arg6[%parallel_loop3A_434, %parallel_loop3A_435, %parallel_loop3A_436], %parallel_loop3A_439 {strides = array<i32>} : memref<5x128x128xf32, #tpu.memory_space<vmem>>, vector<1x1x16xf32>,
        %parallel_loop3A_440 = arith.constant 0 : i32
        %parallel_loop3A_441 = arith.index_cast %parallel_loop3A_440 : i32 to index
        %parallel_loop3A_442 = arith.index_cast %parallel_loop3A_407 : i32 to index
        %parallel_loop3A_443 = arith.constant 32 : index
        %parallel_loop3A_444 = tpu.vector_load %arg6[%parallel_loop3A_441, %parallel_loop3A_442, %parallel_loop3A_443] {strides = array<i32>} : memref<5x128x128xf32, #tpu.memory_space<vmem>>, vector<1x1x16xf32>,
        %parallel_loop3A_445 = vector.shape_cast %parallel_loop3A_444 : vector<1x1x16xf32> to vector<16xf32>
        %parallel_loop3A_446 = arith.constant 11.3137083 : f32
        %parallel_loop3A_447 = vector.broadcast %parallel_loop3A_446 : f32 to vector<16xf32>
        %parallel_loop3A_448 = arith.mulf %parallel_loop3A_445, %parallel_loop3A_447 : vector<16xf32>
        %parallel_loop3A_449 = arith.constant 0 : i32
        %parallel_loop3A_450 = arith.index_cast %parallel_loop3A_449 : i32 to index
        %parallel_loop3A_451 = arith.index_cast %parallel_loop3A_407 : i32 to index
        %parallel_loop3A_452 = arith.constant 32 : index
        %parallel_loop3A_453 = tpu.vector_load %arg6[%parallel_loop3A_450, %parallel_loop3A_451, %parallel_loop3A_452] {strides = array<i32>} : memref<5x128x128xf32, #tpu.memory_space<vmem>>, vector<1x1x16xf32>,
        %parallel_loop3A_454 = vector.shape_cast %parallel_loop3A_453 : vector<1x1x16xf32> to vector<16xf32>
        %parallel_loop3A_455 = vector.shape_cast %parallel_loop3A_448 : vector<16xf32> to vector<1x1x16xf32>
        tpu.vector_store %arg6[%parallel_loop3A_450, %parallel_loop3A_451, %parallel_loop3A_452], %parallel_loop3A_455 {strides = array<i32>} : memref<5x128x128xf32, #tpu.memory_space<vmem>>, vector<1x1x16xf32>,
        %parallel_loop3A_456 = arith.constant 0 : i32
        %parallel_loop3A_457 = arith.index_cast %parallel_loop3A_456 : i32 to index
        %parallel_loop3A_458 = arith.index_cast %parallel_loop3A_407 : i32 to index
        %parallel_loop3A_459 = arith.constant 48 : index
        %parallel_loop3A_460 = tpu.vector_load %arg6[%parallel_loop3A_457, %parallel_loop3A_458, %parallel_loop3A_459] {strides = array<i32>} : memref<5x128x128xf32, #tpu.memory_space<vmem>>, vector<1x1x16xf32>,
        %parallel_loop3A_461 = vector.shape_cast %parallel_loop3A_460 : vector<1x1x16xf32> to vector<16xf32>
        %parallel_loop3A_462 = arith.constant 11.3137083 : f32
        %parallel_loop3A_463 = vector.broadcast %parallel_loop3A_462 : f32 to vector<16xf32>
        %parallel_loop3A_464 = arith.mulf %parallel_loop3A_461, %parallel_loop3A_463 : vector<16xf32>
        %parallel_loop3A_465 = arith.constant 0 : i32
        %parallel_loop3A_466 = arith.index_cast %parallel_loop3A_465 : i32 to index
        %parallel_loop3A_467 = arith.index_cast %parallel_loop3A_407 : i32 to index
        %parallel_loop3A_468 = arith.constant 48 : index
        %parallel_loop3A_469 = tpu.vector_load %arg6[%parallel_loop3A_466, %parallel_loop3A_467, %parallel_loop3A_468] {strides = array<i32>} : memref<5x128x128xf32, #tpu.memory_space<vmem>>, vector<1x1x16xf32>,
        %parallel_loop3A_470 = vector.shape_cast %parallel_loop3A_469 : vector<1x1x16xf32> to vector<16xf32>
        %parallel_loop3A_471 = vector.shape_cast %parallel_loop3A_464 : vector<16xf32> to vector<1x1x16xf32>
        tpu.vector_store %arg6[%parallel_loop3A_466, %parallel_loop3A_467, %parallel_loop3A_468], %parallel_loop3A_471 {strides = array<i32>} : memref<5x128x128xf32, #tpu.memory_space<vmem>>, vector<1x1x16xf32>,
        %parallel_loop3A_472 = arith.constant 0 : i32
        %parallel_loop3A_473 = arith.index_cast %parallel_loop3A_472 : i32 to index
        %parallel_loop3A_474 = arith.index_cast %parallel_loop3A_407 : i32 to index
        %parallel_loop3A_475 = arith.constant 64 : index
        %parallel_loop3A_476 = tpu.vector_load %arg6[%parallel_loop3A_473, %parallel_loop3A_474, %parallel_loop3A_475] {strides = array<i32>} : memref<5x128x128xf32, #tpu.memory_space<vmem>>, vector<1x1x16xf32>,
        %parallel_loop3A_477 = vector.shape_cast %parallel_loop3A_476 : vector<1x1x16xf32> to vector<16xf32>
        %parallel_loop3A_478 = arith.constant 11.3137083 : f32
        %parallel_loop3A_479 = vector.broadcast %parallel_loop3A_478 : f32 to vector<16xf32>
        %parallel_loop3A_480 = arith.mulf %parallel_loop3A_477, %parallel_loop3A_479 : vector<16xf32>
        %parallel_loop3A_481 = arith.constant 0 : i32
        %parallel_loop3A_482 = arith.index_cast %parallel_loop3A_481 : i32 to index
        %parallel_loop3A_483 = arith.index_cast %parallel_loop3A_407 : i32 to index
        %parallel_loop3A_484 = arith.constant 64 : index
        %parallel_loop3A_485 = tpu.vector_load %arg6[%parallel_loop3A_482, %parallel_loop3A_483, %parallel_loop3A_484] {strides = array<i32>} : memref<5x128x128xf32, #tpu.memory_space<vmem>>, vector<1x1x16xf32>,
        %parallel_loop3A_486 = vector.shape_cast %parallel_loop3A_485 : vector<1x1x16xf32> to vector<16xf32>
        %parallel_loop3A_487 = vector.shape_cast %parallel_loop3A_480 : vector<16xf32> to vector<1x1x16xf32>
        tpu.vector_store %arg6[%parallel_loop3A_482, %parallel_loop3A_483, %parallel_loop3A_484], %parallel_loop3A_487 {strides = array<i32>} : memref<5x128x128xf32, #tpu.memory_space<vmem>>, vector<1x1x16xf32>,
        %parallel_loop3A_488 = arith.constant 0 : i32
        %parallel_loop3A_489 = arith.index_cast %parallel_loop3A_488 : i32 to index
        %parallel_loop3A_490 = arith.index_cast %parallel_loop3A_407 : i32 to index
        %parallel_loop3A_491 = arith.constant 80 : index
        %parallel_loop3A_492 = tpu.vector_load %arg6[%parallel_loop3A_489, %parallel_loop3A_490, %parallel_loop3A_491] {strides = array<i32>} : memref<5x128x128xf32, #tpu.memory_space<vmem>>, vector<1x1x16xf32>,
        %parallel_loop3A_493 = vector.shape_cast %parallel_loop3A_492 : vector<1x1x16xf32> to vector<16xf32>
        %parallel_loop3A_494 = arith.constant 11.3137083 : f32
        %parallel_loop3A_495 = vector.broadcast %parallel_loop3A_494 : f32 to vector<16xf32>
        %parallel_loop3A_496 = arith.mulf %parallel_loop3A_493, %parallel_loop3A_495 : vector<16xf32>
        %parallel_loop3A_497 = arith.constant 0 : i32
        %parallel_loop3A_498 = arith.index_cast %parallel_loop3A_497 : i32 to index
        %parallel_loop3A_499 = arith.index_cast %parallel_loop3A_407 : i32 to index
        %parallel_loop3A_500 = arith.constant 80 : index
        %parallel_loop3A_501 = tpu.vector_load %arg6[%parallel_loop3A_498, %parallel_loop3A_499, %parallel_loop3A_500] {strides = array<i32>} : memref<5x128x128xf32, #tpu.memory_space<vmem>>, vector<1x1x16xf32>,
        %parallel_loop3A_502 = vector.shape_cast %parallel_loop3A_501 : vector<1x1x16xf32> to vector<16xf32>
        %parallel_loop3A_503 = vector.shape_cast %parallel_loop3A_496 : vector<16xf32> to vector<1x1x16xf32>
        tpu.vector_store %arg6[%parallel_loop3A_498, %parallel_loop3A_499, %parallel_loop3A_500], %parallel_loop3A_503 {strides = array<i32>} : memref<5x128x128xf32, #tpu.memory_space<vmem>>, vector<1x1x16xf32>,
        %parallel_loop3A_504 = arith.constant 0 : i32
        %parallel_loop3A_505 = arith.index_cast %parallel_loop3A_504 : i32 to index
        %parallel_loop3A_506 = arith.index_cast %parallel_loop3A_407 : i32 to index
        %parallel_loop3A_507 = arith.constant 96 : index
        %parallel_loop3A_508 = tpu.vector_load %arg6[%parallel_loop3A_505, %parallel_loop3A_506, %parallel_loop3A_507] {strides = array<i32>} : memref<5x128x128xf32, #tpu.memory_space<vmem>>, vector<1x1x16xf32>,
        %parallel_loop3A_509 = vector.shape_cast %parallel_loop3A_508 : vector<1x1x16xf32> to vector<16xf32>
        %parallel_loop3A_510 = arith.constant 11.3137083 : f32
        %parallel_loop3A_511 = vector.broadcast %parallel_loop3A_510 : f32 to vector<16xf32>
        %parallel_loop3A_512 = arith.mulf %parallel_loop3A_509, %parallel_loop3A_511 : vector<16xf32>
        %parallel_loop3A_513 = arith.constant 0 : i32
        %parallel_loop3A_514 = arith.index_cast %parallel_loop3A_513 : i32 to index
        %parallel_loop3A_515 = arith.index_cast %parallel_loop3A_407 : i32 to index
        %parallel_loop3A_516 = arith.constant 96 : index
        %parallel_loop3A_517 = tpu.vector_load %arg6[%parallel_loop3A_514, %parallel_loop3A_515, %parallel_loop3A_516] {strides = array<i32>} : memref<5x128x128xf32, #tpu.memory_space<vmem>>, vector<1x1x16xf32>,
        %parallel_loop3A_518 = vector.shape_cast %parallel_loop3A_517 : vector<1x1x16xf32> to vector<16xf32>
        %parallel_loop3A_519 = vector.shape_cast %parallel_loop3A_512 : vector<16xf32> to vector<1x1x16xf32>
        tpu.vector_store %arg6[%parallel_loop3A_514, %parallel_loop3A_515, %parallel_loop3A_516], %parallel_loop3A_519 {strides = array<i32>} : memref<5x128x128xf32, #tpu.memory_space<vmem>>, vector<1x1x16xf32>,
        %parallel_loop3A_520 = arith.constant 0 : i32
        %parallel_loop3A_521 = arith.index_cast %parallel_loop3A_520 : i32 to index
        %parallel_loop3A_522 = arith.index_cast %parallel_loop3A_407 : i32 to index
        %parallel_loop3A_523 = arith.constant 112 : index
        %parallel_loop3A_524 = tpu.vector_load %arg6[%parallel_loop3A_521, %parallel_loop3A_522, %parallel_loop3A_523] {strides = array<i32>} : memref<5x128x128xf32, #tpu.memory_space<vmem>>, vector<1x1x16xf32>,
        %parallel_loop3A_525 = vector.shape_cast %parallel_loop3A_524 : vector<1x1x16xf32> to vector<16xf32>
        %parallel_loop3A_526 = arith.constant 11.3137083 : f32
        %parallel_loop3A_527 = vector.broadcast %parallel_loop3A_526 : f32 to vector<16xf32>
        %parallel_loop3A_528 = arith.mulf %parallel_loop3A_525, %parallel_loop3A_527 : vector<16xf32>
        %parallel_loop3A_529 = arith.constant 0 : i32
        %parallel_loop3A_530 = arith.index_cast %parallel_loop3A_529 : i32 to index
        %parallel_loop3A_531 = arith.index_cast %parallel_loop3A_407 : i32 to index
        %parallel_loop3A_532 = arith.constant 112 : index
        %parallel_loop3A_533 = tpu.vector_load %arg6[%parallel_loop3A_530, %parallel_loop3A_531, %parallel_loop3A_532] {strides = array<i32>} : memref<5x128x128xf32, #tpu.memory_space<vmem>>, vector<1x1x16xf32>,
        %parallel_loop3A_534 = vector.shape_cast %parallel_loop3A_533 : vector<1x1x16xf32> to vector<16xf32>
        %parallel_loop3A_535 = vector.shape_cast %parallel_loop3A_528 : vector<16xf32> to vector<1x1x16xf32>
        tpu.vector_store %arg6[%parallel_loop3A_530, %parallel_loop3A_531, %parallel_loop3A_532], %parallel_loop3A_535 {strides = array<i32>} : memref<5x128x128xf32, #tpu.memory_space<vmem>>, vector<1x1x16xf32>,
      } {sc.loop_unroll_factor = 4 : i64, sc.parallel_access}
      %mul3A_190 = arith.constant 32 : i32
      %mul3A_191 = arith.muli %add3A_168, %mul3A_190 : i32
      %add3A_192 = arith.addi %mul3A_191, %add3A : i32
      %mul3A_193 = arith.constant 128 : i32
      %mul3A_194 = arith.muli %add3A_192, %mul3A_193 : i32
      %dma_start3A_195 = arith.constant 0 : i32
      %dma_start3A_196 = arith.constant 0 : i32
      %dma_start3A_197 = arith.constant 0 : i32
      %dma_start3A_198 = arith.constant 0 : i32
      %dma_start3A_199 = tpu.memref_slice %arg6[%dma_start3A_195, %dma_start3A_197, %dma_start3A_198] : memref<5x128x128xf32, #tpu.memory_space<vmem>> -> memref<1x128x128xf32, #tpu.memory_space<vmem>>
      %dma_start3A_200 = tpu.memref_squeeze %dma_start3A_199 : memref<1x128x128xf32, #tpu.memory_space<vmem>> -> memref<128x128xf32, #tpu.memory_space<vmem>>
      %dma_start3A_201 = arith.constant 0 : i32
      %dma_start3A_202 = tpu.memref_slice %arg4[%mul3A_194, %dma_start3A_201] : memref<204800x128xf32, #tpu.memory_space<hbm>> -> memref<128x128xf32, #tpu.memory_space<hbm>>
      %dma_start3A_203 = tpu.memref_slice %arg8[%dma_start3A_196] : memref<5x!tpu.dma_semaphore, #tpu.memory_space<semaphore_mem>> -> memref<1x!tpu.dma_semaphore, #tpu.memory_space<semaphore_mem>>
      %dma_start3A_204 = tpu.memref_squeeze %dma_start3A_203 : memref<1x!tpu.dma_semaphore, #tpu.memory_space<semaphore_mem>> -> memref<!tpu.dma_semaphore, #tpu.memory_space<semaphore_mem>>
      %dma_start3A_205 = arith.constant 0 : i32
      %dma_start3A_206 = tpu.memref_slice %arg4[%mul3A_194, %dma_start3A_205] : memref<204800x128xf32, #tpu.memory_space<hbm>> -> memref<128x128xf32, #tpu.memory_space<hbm>>
      %dma_start3A_207 = arith.constant 0 : i32
      %dma_start3A_208 = arith.constant 0 : i32
      %dma_start3A_209 = tpu.memref_slice %arg6[%dma_start3A_195, %dma_start3A_207, %dma_start3A_208] : memref<5x128x128xf32, #tpu.memory_space<vmem>> -> memref<1x128x128xf32, #tpu.memory_space<vmem>>
      %dma_start3A_210 = tpu.memref_squeeze %dma_start3A_209 : memref<1x128x128xf32, #tpu.memory_space<vmem>> -> memref<128x128xf32, #tpu.memory_space<vmem>>
      tpu.enqueue_dma source(%dma_start3A_210 : memref<128x128xf32, #tpu.memory_space<vmem>>) target(%dma_start3A_206 : memref<128x128xf32, #tpu.memory_space<hbm>>) target_semaphore(%dma_start3A_204 : memref<!tpu.dma_semaphore, #tpu.memory_space<semaphore_mem>>)
      %add3A_211 = arith.constant 1 : i32
      %add3A_212 = arith.addi %mul3A_166, %add3A_211 : i32
      %add3A_213 = arith.constant 5 : i32
      %add3A_214 = arith.addi %add3A_212, %add3A_213 : i32
      %sub3A_215 = arith.constant 1 : i32
      %sub3A_216 = arith.subi %add3A_214, %sub3A_215 : i32
      %lt3A_217 = arith.constant 50 : i32
      %lt3A_218 = arith.cmpi slt, %sub3A_216, %lt3A_217 : i32
      %convert_element_type3A_219 = arith.extui %lt3A_218 : i1 to i32
      %cond3A_220 = arith.constant 0 : i32
      %cond3A_221 = arith.cmpi ne, %convert_element_type3A_219, %cond3A_220 : i32
      scf.if %cond3A_221 {
        %ge3A = arith.constant 5 : i32
        %ge3A_407 = arith.cmpi sge, %sub3A_216, %ge3A : i32
        %convert_element_type3A_408 = arith.extui %ge3A_407 : i1 to i32
        %cond3A_409 = arith.constant 0 : i32
        %cond3A_410 = arith.cmpi ne, %convert_element_type3A_408, %cond3A_409 : i32
        scf.if %cond3A_410 {
          %sub3A_425 = arith.constant 5 : i32
          %sub3A_426 = arith.subi %sub3A_216, %sub3A_425 : i32
          %mul3A_427 = arith.constant 32 : i32
          %mul3A_428 = arith.muli %sub3A_426, %mul3A_427 : i32
          %add3A_429 = arith.addi %mul3A_428, %add3A : i32
          %mul3A_430 = arith.constant 128 : i32
          %mul3A_431 = arith.muli %add3A_429, %mul3A_430 : i32
          %dma_wait3A_432 = arith.constant 0 : i32
          %dma_wait3A_433 = arith.constant 0 : i32
          %dma_wait3A_434 = arith.constant 0 : i32
          %dma_wait3A_435 = arith.constant 0 : i32
          %dma_wait3A_436 = tpu.memref_slice %arg6[%dma_wait3A_432, %dma_wait3A_434, %dma_wait3A_435] : memref<5x128x128xf32, #tpu.memory_space<vmem>> -> memref<1x128x128xf32, #tpu.memory_space<vmem>>
          %dma_wait3A_437 = tpu.memref_squeeze %dma_wait3A_436 : memref<1x128x128xf32, #tpu.memory_space<vmem>> -> memref<128x128xf32, #tpu.memory_space<vmem>>
          %dma_wait3A_438 = arith.constant 0 : i32
          %dma_wait3A_439 = tpu.memref_slice %arg4[%mul3A_431, %dma_wait3A_438] : memref<204800x128xf32, #tpu.memory_space<hbm>> -> memref<128x128xf32, #tpu.memory_space<hbm>>
          %dma_wait3A_440 = tpu.memref_slice %arg8[%dma_wait3A_433] : memref<5x!tpu.dma_semaphore, #tpu.memory_space<semaphore_mem>> -> memref<1x!tpu.dma_semaphore, #tpu.memory_space<semaphore_mem>>
          %dma_wait3A_441 = tpu.memref_squeeze %dma_wait3A_440 : memref<1x!tpu.dma_semaphore, #tpu.memory_space<semaphore_mem>> -> memref<!tpu.dma_semaphore, #tpu.memory_space<semaphore_mem>>
          %dma_wait3A_442 = arith.constant 0 : i32
          %dma_wait3A_443 = tpu.memref_slice %arg4[%mul3A_431, %dma_wait3A_442] : memref<204800x128xf32, #tpu.memory_space<hbm>> -> memref<128x128xf32, #tpu.memory_space<hbm>>
          %dma_wait3A_444 = arith.constant 0 : i32
          %dma_wait3A_445 = arith.constant 0 : i32
          %dma_wait3A_446 = tpu.memref_slice %arg6[%dma_wait3A_432, %dma_wait3A_444, %dma_wait3A_445] : memref<5x128x128xf32, #tpu.memory_space<vmem>> -> memref<1x128x128xf32, #tpu.memory_space<vmem>>
          %dma_wait3A_447 = tpu.memref_squeeze %dma_wait3A_446 : memref<1x128x128xf32, #tpu.memory_space<vmem>> -> memref<128x128xf32, #tpu.memory_space<vmem>>
          tpu.wait_dma2 semaphore(%dma_wait3A_441 : memref<!tpu.dma_semaphore, #tpu.memory_space<semaphore_mem>>) src(%dma_wait3A_447 : memref<128x128xf32, #tpu.memory_space<vmem>>) dst(%dma_wait3A_443 : memref<128x128xf32, #tpu.memory_space<hbm>>)
        } else {
        }
        %dma_start3A_411 = arith.constant 0 : i32
        %dma_start3A_412 = arith.constant 0 : i32
        %dma_start3A_413 = arith.constant 0 : i32
        %dma_start3A_414 = arith.constant 0 : i32
        %dma_start3A_415 = tpu.memref_slice %arg6[%dma_start3A_411, %dma_start3A_413, %dma_start3A_414] : memref<5x128x128xf32, #tpu.memory_space<vmem>> -> memref<1x128x128xf32, #tpu.memory_space<vmem>>
        %dma_start3A_416 = tpu.memref_squeeze %dma_start3A_415 : memref<1x128x128xf32, #tpu.memory_space<vmem>> -> memref<128x128xf32, #tpu.memory_space<vmem>>
        %dma_start3A_417 = arith.constant 0 : i32
        %dma_start3A_418 = tpu.memref_slice %arg5[%sub3A_216, %dma_start3A_417] : memref<50x128xi32, #tpu.memory_space<vmem>> -> memref<1x128xi32, #tpu.memory_space<vmem>>
        %dma_start3A_419 = tpu.memref_squeeze %dma_start3A_418 : memref<1x128xi32, #tpu.memory_space<vmem>> -> memref<128xi32, #tpu.memory_space<vmem>>
        %dma_start3A_420 = arith.constant 0 : i32
        %dma_start3A_421 = arith.constant 0 : i32
        %dma_start3A_422 = tpu.memref_slice %arg3[%dma_start3A_420, %dma_start3A_421] : memref<100000x128xf32, #tpu.memory_space<hbm>> -> memref<100000x128xf32, #tpu.memory_space<hbm>>
        %dma_start3A_423 = tpu.memref_slice %arg7[%dma_start3A_412] : memref<5x!tpu.dma_semaphore, #tpu.memory_space<semaphore_mem>> -> memref<1x!tpu.dma_semaphore, #tpu.memory_space<semaphore_mem>>
        %dma_start3A_424 = tpu.memref_squeeze %dma_start3A_423 : memref<1x!tpu.dma_semaphore, #tpu.memory_space<semaphore_mem>> -> memref<!tpu.dma_semaphore, #tpu.memory_space<semaphore_mem>>
        tpu.enqueue_indirect_dma source(%dma_start3A_422 : memref<100000x128xf32, #tpu.memory_space<hbm>>) target(%dma_start3A_416 : memref<128x128xf32, #tpu.memory_space<vmem>>) offsets(%dma_start3A_419 : memref<128xi32, #tpu.memory_space<vmem>>) semaphore(%dma_start3A_424 : memref<!tpu.dma_semaphore, #tpu.memory_space<semaphore_mem>>)
      } else {
      }
      %dma_wait3A_222 = arith.constant 1 : i32
      %dma_wait3A_223 = arith.constant 1 : i32
      %dma_wait3A_224 = arith.constant 0 : i32
      %dma_wait3A_225 = arith.constant 0 : i32
      %dma_wait3A_226 = tpu.memref_slice %arg6[%dma_wait3A_222, %dma_wait3A_224, %dma_wait3A_225] : memref<5x128x128xf32, #tpu.memory_space<vmem>> -> memref<1x128x128xf32, #tpu.memory_space<vmem>>
      %dma_wait3A_227 = tpu.memref_squeeze %dma_wait3A_226 : memref<1x128x128xf32, #tpu.memory_space<vmem>> -> memref<128x128xf32, #tpu.memory_space<vmem>>
      %dma_wait3A_228 = arith.constant 0 : i32
      %dma_wait3A_229 = tpu.memref_slice %arg5[%add3A_212, %dma_wait3A_228] : memref<50x128xi32, #tpu.memory_space<vmem>> -> memref<1x128xi32, #tpu.memory_space<vmem>>
      %dma_wait3A_230 = tpu.memref_squeeze %dma_wait3A_229 : memref<1x128xi32, #tpu.memory_space<vmem>> -> memref<128xi32, #tpu.memory_space<vmem>>
      %dma_wait3A_231 = arith.constant 0 : i32
      %dma_wait3A_232 = arith.constant 0 : i32
      %dma_wait3A_233 = tpu.memref_slice %arg3[%dma_wait3A_231, %dma_wait3A_232] : memref<100000x128xf32, #tpu.memory_space<hbm>> -> memref<100000x128xf32, #tpu.memory_space<hbm>>
      %dma_wait3A_234 = tpu.memref_slice %arg7[%dma_wait3A_223] : memref<5x!tpu.dma_semaphore, #tpu.memory_space<semaphore_mem>> -> memref<1x!tpu.dma_semaphore, #tpu.memory_space<semaphore_mem>>
      %dma_wait3A_235 = tpu.memref_squeeze %dma_wait3A_234 : memref<1x!tpu.dma_semaphore, #tpu.memory_space<semaphore_mem>> -> memref<!tpu.dma_semaphore, #tpu.memory_space<semaphore_mem>>
      tpu.wait_indirect_dma semaphore(%dma_wait3A_235 : memref<!tpu.dma_semaphore, #tpu.memory_space<semaphore_mem>>) src(%dma_wait3A_233 : memref<100000x128xf32, #tpu.memory_space<hbm>>) dst(%dma_wait3A_227 : memref<128x128xf32, #tpu.memory_space<vmem>>)
      %parallel_loop3A_236 = arith.constant 0 : i32
      %parallel_loop3A_237 = arith.constant 128 : i32
      %parallel_loop3A_238 = arith.constant 1 : i32
      scf.for %parallel_loop3A_407 = %parallel_loop3A_236 to %parallel_loop3A_237 step %parallel_loop3A_238  : i32 {
        %parallel_loop3A_408 = arith.constant 1 : i32
        %parallel_loop3A_409 = arith.index_cast %parallel_loop3A_408 : i32 to index
        %parallel_loop3A_410 = arith.index_cast %parallel_loop3A_407 : i32 to index
        %parallel_loop3A_411 = arith.constant 0 : index
        %parallel_loop3A_412 = tpu.vector_load %arg6[%parallel_loop3A_409, %parallel_loop3A_410, %parallel_loop3A_411] {strides = array<i32>} : memref<5x128x128xf32, #tpu.memory_space<vmem>>, vector<1x1x16xf32>,
        %parallel_loop3A_413 = vector.shape_cast %parallel_loop3A_412 : vector<1x1x16xf32> to vector<16xf32>
        %parallel_loop3A_414 = arith.constant 11.3137083 : f32
        %parallel_loop3A_415 = vector.broadcast %parallel_loop3A_414 : f32 to vector<16xf32>
        %parallel_loop3A_416 = arith.mulf %parallel_loop3A_413, %parallel_loop3A_415 : vector<16xf32>
        %parallel_loop3A_417 = arith.constant 1 : i32
        %parallel_loop3A_418 = arith.index_cast %parallel_loop3A_417 : i32 to index
        %parallel_loop3A_419 = arith.index_cast %parallel_loop3A_407 : i32 to index
        %parallel_loop3A_420 = arith.constant 0 : index
        %parallel_loop3A_421 = tpu.vector_load %arg6[%parallel_loop3A_418, %parallel_loop3A_419, %parallel_loop3A_420] {strides = array<i32>} : memref<5x128x128xf32, #tpu.memory_space<vmem>>, vector<1x1x16xf32>,
        %parallel_loop3A_422 = vector.shape_cast %parallel_loop3A_421 : vector<1x1x16xf32> to vector<16xf32>
        %parallel_loop3A_423 = vector.shape_cast %parallel_loop3A_416 : vector<16xf32> to vector<1x1x16xf32>
        tpu.vector_store %arg6[%parallel_loop3A_418, %parallel_loop3A_419, %parallel_loop3A_420], %parallel_loop3A_423 {strides = array<i32>} : memref<5x128x128xf32, #tpu.memory_space<vmem>>, vector<1x1x16xf32>,
        %parallel_loop3A_424 = arith.constant 1 : i32
        %parallel_loop3A_425 = arith.index_cast %parallel_loop3A_424 : i32 to index
        %parallel_loop3A_426 = arith.index_cast %parallel_loop3A_407 : i32 to index
        %parallel_loop3A_427 = arith.constant 16 : index
        %parallel_loop3A_428 = tpu.vector_load %arg6[%parallel_loop3A_425, %parallel_loop3A_426, %parallel_loop3A_427] {strides = array<i32>} : memref<5x128x128xf32, #tpu.memory_space<vmem>>, vector<1x1x16xf32>,
        %parallel_loop3A_429 = vector.shape_cast %parallel_loop3A_428 : vector<1x1x16xf32> to vector<16xf32>
        %parallel_loop3A_430 = arith.constant 11.3137083 : f32
        %parallel_loop3A_431 = vector.broadcast %parallel_loop3A_430 : f32 to vector<16xf32>
        %parallel_loop3A_432 = arith.mulf %parallel_loop3A_429, %parallel_loop3A_431 : vector<16xf32>
        %parallel_loop3A_433 = arith.constant 1 : i32
        %parallel_loop3A_434 = arith.index_cast %parallel_loop3A_433 : i32 to index
        %parallel_loop3A_435 = arith.index_cast %parallel_loop3A_407 : i32 to index
        %parallel_loop3A_436 = arith.constant 16 : index
        %parallel_loop3A_437 = tpu.vector_load %arg6[%parallel_loop3A_434, %parallel_loop3A_435, %parallel_loop3A_436] {strides = array<i32>} : memref<5x128x128xf32, #tpu.memory_space<vmem>>, vector<1x1x16xf32>,
        %parallel_loop3A_438 = vector.shape_cast %parallel_loop3A_437 : vector<1x1x16xf32> to vector<16xf32>
        %parallel_loop3A_439 = vector.shape_cast %parallel_loop3A_432 : vector<16xf32> to vector<1x1x16xf32>
        tpu.vector_store %arg6[%parallel_loop3A_434, %parallel_loop3A_435, %parallel_loop3A_436], %parallel_loop3A_439 {strides = array<i32>} : memref<5x128x128xf32, #tpu.memory_space<vmem>>, vector<1x1x16xf32>,
        %parallel_loop3A_440 = arith.constant 1 : i32
        %parallel_loop3A_441 = arith.index_cast %parallel_loop3A_440 : i32 to index
        %parallel_loop3A_442 = arith.index_cast %parallel_loop3A_407 : i32 to index
        %parallel_loop3A_443 = arith.constant 32 : index
        %parallel_loop3A_444 = tpu.vector_load %arg6[%parallel_loop3A_441, %parallel_loop3A_442, %parallel_loop3A_443] {strides = array<i32>} : memref<5x128x128xf32, #tpu.memory_space<vmem>>, vector<1x1x16xf32>,
        %parallel_loop3A_445 = vector.shape_cast %parallel_loop3A_444 : vector<1x1x16xf32> to vector<16xf32>
        %parallel_loop3A_446 = arith.constant 11.3137083 : f32
        %parallel_loop3A_447 = vector.broadcast %parallel_loop3A_446 : f32 to vector<16xf32>
        %parallel_loop3A_448 = arith.mulf %parallel_loop3A_445, %parallel_loop3A_447 : vector<16xf32>
        %parallel_loop3A_449 = arith.constant 1 : i32
        %parallel_loop3A_450 = arith.index_cast %parallel_loop3A_449 : i32 to index
        %parallel_loop3A_451 = arith.index_cast %parallel_loop3A_407 : i32 to index
        %parallel_loop3A_452 = arith.constant 32 : index
        %parallel_loop3A_453 = tpu.vector_load %arg6[%parallel_loop3A_450, %parallel_loop3A_451, %parallel_loop3A_452] {strides = array<i32>} : memref<5x128x128xf32, #tpu.memory_space<vmem>>, vector<1x1x16xf32>,
        %parallel_loop3A_454 = vector.shape_cast %parallel_loop3A_453 : vector<1x1x16xf32> to vector<16xf32>
        %parallel_loop3A_455 = vector.shape_cast %parallel_loop3A_448 : vector<16xf32> to vector<1x1x16xf32>
        tpu.vector_store %arg6[%parallel_loop3A_450, %parallel_loop3A_451, %parallel_loop3A_452], %parallel_loop3A_455 {strides = array<i32>} : memref<5x128x128xf32, #tpu.memory_space<vmem>>, vector<1x1x16xf32>,
        %parallel_loop3A_456 = arith.constant 1 : i32
        %parallel_loop3A_457 = arith.index_cast %parallel_loop3A_456 : i32 to index
        %parallel_loop3A_458 = arith.index_cast %parallel_loop3A_407 : i32 to index
        %parallel_loop3A_459 = arith.constant 48 : index
        %parallel_loop3A_460 = tpu.vector_load %arg6[%parallel_loop3A_457, %parallel_loop3A_458, %parallel_loop3A_459] {strides = array<i32>} : memref<5x128x128xf32, #tpu.memory_space<vmem>>, vector<1x1x16xf32>,
        %parallel_loop3A_461 = vector.shape_cast %parallel_loop3A_460 : vector<1x1x16xf32> to vector<16xf32>
        %parallel_loop3A_462 = arith.constant 11.3137083 : f32
        %parallel_loop3A_463 = vector.broadcast %parallel_loop3A_462 : f32 to vector<16xf32>
        %parallel_loop3A_464 = arith.mulf %parallel_loop3A_461, %parallel_loop3A_463 : vector<16xf32>
        %parallel_loop3A_465 = arith.constant 1 : i32
        %parallel_loop3A_466 = arith.index_cast %parallel_loop3A_465 : i32 to index
        %parallel_loop3A_467 = arith.index_cast %parallel_loop3A_407 : i32 to index
        %parallel_loop3A_468 = arith.constant 48 : index
        %parallel_loop3A_469 = tpu.vector_load %arg6[%parallel_loop3A_466, %parallel_loop3A_467, %parallel_loop3A_468] {strides = array<i32>} : memref<5x128x128xf32, #tpu.memory_space<vmem>>, vector<1x1x16xf32>,
        %parallel_loop3A_470 = vector.shape_cast %parallel_loop3A_469 : vector<1x1x16xf32> to vector<16xf32>
        %parallel_loop3A_471 = vector.shape_cast %parallel_loop3A_464 : vector<16xf32> to vector<1x1x16xf32>
        tpu.vector_store %arg6[%parallel_loop3A_466, %parallel_loop3A_467, %parallel_loop3A_468], %parallel_loop3A_471 {strides = array<i32>} : memref<5x128x128xf32, #tpu.memory_space<vmem>>, vector<1x1x16xf32>,
        %parallel_loop3A_472 = arith.constant 1 : i32
        %parallel_loop3A_473 = arith.index_cast %parallel_loop3A_472 : i32 to index
        %parallel_loop3A_474 = arith.index_cast %parallel_loop3A_407 : i32 to index
        %parallel_loop3A_475 = arith.constant 64 : index
        %parallel_loop3A_476 = tpu.vector_load %arg6[%parallel_loop3A_473, %parallel_loop3A_474, %parallel_loop3A_475] {strides = array<i32>} : memref<5x128x128xf32, #tpu.memory_space<vmem>>, vector<1x1x16xf32>,
        %parallel_loop3A_477 = vector.shape_cast %parallel_loop3A_476 : vector<1x1x16xf32> to vector<16xf32>
        %parallel_loop3A_478 = arith.constant 11.3137083 : f32
        %parallel_loop3A_479 = vector.broadcast %parallel_loop3A_478 : f32 to vector<16xf32>
        %parallel_loop3A_480 = arith.mulf %parallel_loop3A_477, %parallel_loop3A_479 : vector<16xf32>
        %parallel_loop3A_481 = arith.constant 1 : i32
        %parallel_loop3A_482 = arith.index_cast %parallel_loop3A_481 : i32 to index
        %parallel_loop3A_483 = arith.index_cast %parallel_loop3A_407 : i32 to index
        %parallel_loop3A_484 = arith.constant 64 : index
        %parallel_loop3A_485 = tpu.vector_load %arg6[%parallel_loop3A_482, %parallel_loop3A_483, %parallel_loop3A_484] {strides = array<i32>} : memref<5x128x128xf32, #tpu.memory_space<vmem>>, vector<1x1x16xf32>,
        %parallel_loop3A_486 = vector.shape_cast %parallel_loop3A_485 : vector<1x1x16xf32> to vector<16xf32>
        %parallel_loop3A_487 = vector.shape_cast %parallel_loop3A_480 : vector<16xf32> to vector<1x1x16xf32>
        tpu.vector_store %arg6[%parallel_loop3A_482, %parallel_loop3A_483, %parallel_loop3A_484], %parallel_loop3A_487 {strides = array<i32>} : memref<5x128x128xf32, #tpu.memory_space<vmem>>, vector<1x1x16xf32>,
        %parallel_loop3A_488 = arith.constant 1 : i32
        %parallel_loop3A_489 = arith.index_cast %parallel_loop3A_488 : i32 to index
        %parallel_loop3A_490 = arith.index_cast %parallel_loop3A_407 : i32 to index
        %parallel_loop3A_491 = arith.constant 80 : index
        %parallel_loop3A_492 = tpu.vector_load %arg6[%parallel_loop3A_489, %parallel_loop3A_490, %parallel_loop3A_491] {strides = array<i32>} : memref<5x128x128xf32, #tpu.memory_space<vmem>>, vector<1x1x16xf32>,
        %parallel_loop3A_493 = vector.shape_cast %parallel_loop3A_492 : vector<1x1x16xf32> to vector<16xf32>
        %parallel_loop3A_494 = arith.constant 11.3137083 : f32
        %parallel_loop3A_495 = vector.broadcast %parallel_loop3A_494 : f32 to vector<16xf32>
        %parallel_loop3A_496 = arith.mulf %parallel_loop3A_493, %parallel_loop3A_495 : vector<16xf32>
        %parallel_loop3A_497 = arith.constant 1 : i32
        %parallel_loop3A_498 = arith.index_cast %parallel_loop3A_497 : i32 to index
        %parallel_loop3A_499 = arith.index_cast %parallel_loop3A_407 : i32 to index
        %parallel_loop3A_500 = arith.constant 80 : index
        %parallel_loop3A_501 = tpu.vector_load %arg6[%parallel_loop3A_498, %parallel_loop3A_499, %parallel_loop3A_500] {strides = array<i32>} : memref<5x128x128xf32, #tpu.memory_space<vmem>>, vector<1x1x16xf32>,
        %parallel_loop3A_502 = vector.shape_cast %parallel_loop3A_501 : vector<1x1x16xf32> to vector<16xf32>
        %parallel_loop3A_503 = vector.shape_cast %parallel_loop3A_496 : vector<16xf32> to vector<1x1x16xf32>
        tpu.vector_store %arg6[%parallel_loop3A_498, %parallel_loop3A_499, %parallel_loop3A_500], %parallel_loop3A_503 {strides = array<i32>} : memref<5x128x128xf32, #tpu.memory_space<vmem>>, vector<1x1x16xf32>,
        %parallel_loop3A_504 = arith.constant 1 : i32
        %parallel_loop3A_505 = arith.index_cast %parallel_loop3A_504 : i32 to index
        %parallel_loop3A_506 = arith.index_cast %parallel_loop3A_407 : i32 to index
        %parallel_loop3A_507 = arith.constant 96 : index
        %parallel_loop3A_508 = tpu.vector_load %arg6[%parallel_loop3A_505, %parallel_loop3A_506, %parallel_loop3A_507] {strides = array<i32>} : memref<5x128x128xf32, #tpu.memory_space<vmem>>, vector<1x1x16xf32>,
        %parallel_loop3A_509 = vector.shape_cast %parallel_loop3A_508 : vector<1x1x16xf32> to vector<16xf32>
        %parallel_loop3A_510 = arith.constant 11.3137083 : f32
        %parallel_loop3A_511 = vector.broadcast %parallel_loop3A_510 : f32 to vector<16xf32>
        %parallel_loop3A_512 = arith.mulf %parallel_loop3A_509, %parallel_loop3A_511 : vector<16xf32>
        %parallel_loop3A_513 = arith.constant 1 : i32
        %parallel_loop3A_514 = arith.index_cast %parallel_loop3A_513 : i32 to index
        %parallel_loop3A_515 = arith.index_cast %parallel_loop3A_407 : i32 to index
        %parallel_loop3A_516 = arith.constant 96 : index
        %parallel_loop3A_517 = tpu.vector_load %arg6[%parallel_loop3A_514, %parallel_loop3A_515, %parallel_loop3A_516] {strides = array<i32>} : memref<5x128x128xf32, #tpu.memory_space<vmem>>, vector<1x1x16xf32>,
        %parallel_loop3A_518 = vector.shape_cast %parallel_loop3A_517 : vector<1x1x16xf32> to vector<16xf32>
        %parallel_loop3A_519 = vector.shape_cast %parallel_loop3A_512 : vector<16xf32> to vector<1x1x16xf32>
        tpu.vector_store %arg6[%parallel_loop3A_514, %parallel_loop3A_515, %parallel_loop3A_516], %parallel_loop3A_519 {strides = array<i32>} : memref<5x128x128xf32, #tpu.memory_space<vmem>>, vector<1x1x16xf32>,
        %parallel_loop3A_520 = arith.constant 1 : i32
        %parallel_loop3A_521 = arith.index_cast %parallel_loop3A_520 : i32 to index
        %parallel_loop3A_522 = arith.index_cast %parallel_loop3A_407 : i32 to index
        %parallel_loop3A_523 = arith.constant 112 : index
        %parallel_loop3A_524 = tpu.vector_load %arg6[%parallel_loop3A_521, %parallel_loop3A_522, %parallel_loop3A_523] {strides = array<i32>} : memref<5x128x128xf32, #tpu.memory_space<vmem>>, vector<1x1x16xf32>,
        %parallel_loop3A_525 = vector.shape_cast %parallel_loop3A_524 : vector<1x1x16xf32> to vector<16xf32>
        %parallel_loop3A_526 = arith.constant 11.3137083 : f32
        %parallel_loop3A_527 = vector.broadcast %parallel_loop3A_526 : f32 to vector<16xf32>
        %parallel_loop3A_528 = arith.mulf %parallel_loop3A_525, %parallel_loop3A_527 : vector<16xf32>
        %parallel_loop3A_529 = arith.constant 1 : i32
        %parallel_loop3A_530 = arith.index_cast %parallel_loop3A_529 : i32 to index
        %parallel_loop3A_531 = arith.index_cast %parallel_loop3A_407 : i32 to index
        %parallel_loop3A_532 = arith.constant 112 : index
        %parallel_loop3A_533 = tpu.vector_load %arg6[%parallel_loop3A_530, %parallel_loop3A_531, %parallel_loop3A_532] {strides = array<i32>} : memref<5x128x128xf32, #tpu.memory_space<vmem>>, vector<1x1x16xf32>,
        %parallel_loop3A_534 = vector.shape_cast %parallel_loop3A_533 : vector<1x1x16xf32> to vector<16xf32>
        %parallel_loop3A_535 = vector.shape_cast %parallel_loop3A_528 : vector<16xf32> to vector<1x1x16xf32>
        tpu.vector_store %arg6[%parallel_loop3A_530, %parallel_loop3A_531, %parallel_loop3A_532], %parallel_loop3A_535 {strides = array<i32>} : memref<5x128x128xf32, #tpu.memory_space<vmem>>, vector<1x1x16xf32>,
      } {sc.loop_unroll_factor = 4 : i64, sc.parallel_access}
      %mul3A_239 = arith.constant 32 : i32
      %mul3A_240 = arith.muli %add3A_212, %mul3A_239 : i32
      %add3A_241 = arith.addi %mul3A_240, %add3A : i32
      %mul3A_242 = arith.constant 128 : i32
      %mul3A_243 = arith.muli %add3A_241, %mul3A_242 : i32
      %dma_start3A_244 = arith.constant 1 : i32
      %dma_start3A_245 = arith.constant 1 : i32
      %dma_start3A_246 = arith.constant 0 : i32
      %dma_start3A_247 = arith.constant 0 : i32
      %dma_start3A_248 = tpu.memref_slice %arg6[%dma_start3A_244, %dma_start3A_246, %dma_start3A_247] : memref<5x128x128xf32, #tpu.memory_space<vmem>> -> memref<1x128x128xf32, #tpu.memory_space<vmem>>
      %dma_start3A_249 = tpu.memref_squeeze %dma_start3A_248 : memref<1x128x128xf32, #tpu.memory_space<vmem>> -> memref<128x128xf32, #tpu.memory_space<vmem>>
      %dma_start3A_250 = arith.constant 0 : i32
      %dma_start3A_251 = tpu.memref_slice %arg4[%mul3A_243, %dma_start3A_250] : memref<204800x128xf32, #tpu.memory_space<hbm>> -> memref<128x128xf32, #tpu.memory_space<hbm>>
      %dma_start3A_252 = tpu.memref_slice %arg8[%dma_start3A_245] : memref<5x!tpu.dma_semaphore, #tpu.memory_space<semaphore_mem>> -> memref<1x!tpu.dma_semaphore, #tpu.memory_space<semaphore_mem>>
      %dma_start3A_253 = tpu.memref_squeeze %dma_start3A_252 : memref<1x!tpu.dma_semaphore, #tpu.memory_space<semaphore_mem>> -> memref<!tpu.dma_semaphore, #tpu.memory_space<semaphore_mem>>
      %dma_start3A_254 = arith.constant 0 : i32
      %dma_start3A_255 = tpu.memref_slice %arg4[%mul3A_243, %dma_start3A_254] : memref<204800x128xf32, #tpu.memory_space<hbm>> -> memref<128x128xf32, #tpu.memory_space<hbm>>
      %dma_start3A_256 = arith.constant 0 : i32
      %dma_start3A_257 = arith.constant 0 : i32
      %dma_start3A_258 = tpu.memref_slice %arg6[%dma_start3A_244, %dma_start3A_256, %dma_start3A_257] : memref<5x128x128xf32, #tpu.memory_space<vmem>> -> memref<1x128x128xf32, #tpu.memory_space<vmem>>
      %dma_start3A_259 = tpu.memref_squeeze %dma_start3A_258 : memref<1x128x128xf32, #tpu.memory_space<vmem>> -> memref<128x128xf32, #tpu.memory_space<vmem>>
      tpu.enqueue_dma source(%dma_start3A_259 : memref<128x128xf32, #tpu.memory_space<vmem>>) target(%dma_start3A_255 : memref<128x128xf32, #tpu.memory_space<hbm>>) target_semaphore(%dma_start3A_253 : memref<!tpu.dma_semaphore, #tpu.memory_space<semaphore_mem>>)
      %add3A_260 = arith.constant 2 : i32
      %add3A_261 = arith.addi %mul3A_166, %add3A_260 : i32
      %add3A_262 = arith.constant 5 : i32
      %add3A_263 = arith.addi %add3A_261, %add3A_262 : i32
      %sub3A_264 = arith.constant 1 : i32
      %sub3A_265 = arith.subi %add3A_263, %sub3A_264 : i32
      %lt3A_266 = arith.constant 50 : i32
      %lt3A_267 = arith.cmpi slt, %sub3A_265, %lt3A_266 : i32
      %convert_element_type3A_268 = arith.extui %lt3A_267 : i1 to i32
      %cond3A_269 = arith.constant 0 : i32
      %cond3A_270 = arith.cmpi ne, %convert_element_type3A_268, %cond3A_269 : i32
      scf.if %cond3A_270 {
        %ge3A = arith.constant 5 : i32
        %ge3A_407 = arith.cmpi sge, %sub3A_265, %ge3A : i32
        %convert_element_type3A_408 = arith.extui %ge3A_407 : i1 to i32
        %cond3A_409 = arith.constant 0 : i32
        %cond3A_410 = arith.cmpi ne, %convert_element_type3A_408, %cond3A_409 : i32
        scf.if %cond3A_410 {
          %sub3A_425 = arith.constant 5 : i32
          %sub3A_426 = arith.subi %sub3A_265, %sub3A_425 : i32
          %mul3A_427 = arith.constant 32 : i32
          %mul3A_428 = arith.muli %sub3A_426, %mul3A_427 : i32
          %add3A_429 = arith.addi %mul3A_428, %add3A : i32
          %mul3A_430 = arith.constant 128 : i32
          %mul3A_431 = arith.muli %add3A_429, %mul3A_430 : i32
          %dma_wait3A_432 = arith.constant 1 : i32
          %dma_wait3A_433 = arith.constant 1 : i32
          %dma_wait3A_434 = arith.constant 0 : i32
          %dma_wait3A_435 = arith.constant 0 : i32
          %dma_wait3A_436 = tpu.memref_slice %arg6[%dma_wait3A_432, %dma_wait3A_434, %dma_wait3A_435] : memref<5x128x128xf32, #tpu.memory_space<vmem>> -> memref<1x128x128xf32, #tpu.memory_space<vmem>>
          %dma_wait3A_437 = tpu.memref_squeeze %dma_wait3A_436 : memref<1x128x128xf32, #tpu.memory_space<vmem>> -> memref<128x128xf32, #tpu.memory_space<vmem>>
          %dma_wait3A_438 = arith.constant 0 : i32
          %dma_wait3A_439 = tpu.memref_slice %arg4[%mul3A_431, %dma_wait3A_438] : memref<204800x128xf32, #tpu.memory_space<hbm>> -> memref<128x128xf32, #tpu.memory_space<hbm>>
          %dma_wait3A_440 = tpu.memref_slice %arg8[%dma_wait3A_433] : memref<5x!tpu.dma_semaphore, #tpu.memory_space<semaphore_mem>> -> memref<1x!tpu.dma_semaphore, #tpu.memory_space<semaphore_mem>>
          %dma_wait3A_441 = tpu.memref_squeeze %dma_wait3A_440 : memref<1x!tpu.dma_semaphore, #tpu.memory_space<semaphore_mem>> -> memref<!tpu.dma_semaphore, #tpu.memory_space<semaphore_mem>>
          %dma_wait3A_442 = arith.constant 0 : i32
          %dma_wait3A_443 = tpu.memref_slice %arg4[%mul3A_431, %dma_wait3A_442] : memref<204800x128xf32, #tpu.memory_space<hbm>> -> memref<128x128xf32, #tpu.memory_space<hbm>>
          %dma_wait3A_444 = arith.constant 0 : i32
          %dma_wait3A_445 = arith.constant 0 : i32
          %dma_wait3A_446 = tpu.memref_slice %arg6[%dma_wait3A_432, %dma_wait3A_444, %dma_wait3A_445] : memref<5x128x128xf32, #tpu.memory_space<vmem>> -> memref<1x128x128xf32, #tpu.memory_space<vmem>>
          %dma_wait3A_447 = tpu.memref_squeeze %dma_wait3A_446 : memref<1x128x128xf32, #tpu.memory_space<vmem>> -> memref<128x128xf32, #tpu.memory_space<vmem>>
          tpu.wait_dma2 semaphore(%dma_wait3A_441 : memref<!tpu.dma_semaphore, #tpu.memory_space<semaphore_mem>>) src(%dma_wait3A_447 : memref<128x128xf32, #tpu.memory_space<vmem>>) dst(%dma_wait3A_443 : memref<128x128xf32, #tpu.memory_space<hbm>>)
        } else {
        }
        %dma_start3A_411 = arith.constant 1 : i32
        %dma_start3A_412 = arith.constant 1 : i32
        %dma_start3A_413 = arith.constant 0 : i32
        %dma_start3A_414 = arith.constant 0 : i32
        %dma_start3A_415 = tpu.memref_slice %arg6[%dma_start3A_411, %dma_start3A_413, %dma_start3A_414] : memref<5x128x128xf32, #tpu.memory_space<vmem>> -> memref<1x128x128xf32, #tpu.memory_space<vmem>>
        %dma_start3A_416 = tpu.memref_squeeze %dma_start3A_415 : memref<1x128x128xf32, #tpu.memory_space<vmem>> -> memref<128x128xf32, #tpu.memory_space<vmem>>
        %dma_start3A_417 = arith.constant 0 : i32
        %dma_start3A_418 = tpu.memref_slice %arg5[%sub3A_265, %dma_start3A_417] : memref<50x128xi32, #tpu.memory_space<vmem>> -> memref<1x128xi32, #tpu.memory_space<vmem>>
        %dma_start3A_419 = tpu.memref_squeeze %dma_start3A_418 : memref<1x128xi32, #tpu.memory_space<vmem>> -> memref<128xi32, #tpu.memory_space<vmem>>
        %dma_start3A_420 = arith.constant 0 : i32
        %dma_start3A_421 = arith.constant 0 : i32
        %dma_start3A_422 = tpu.memref_slice %arg3[%dma_start3A_420, %dma_start3A_421] : memref<100000x128xf32, #tpu.memory_space<hbm>> -> memref<100000x128xf32, #tpu.memory_space<hbm>>
        %dma_start3A_423 = tpu.memref_slice %arg7[%dma_start3A_412] : memref<5x!tpu.dma_semaphore, #tpu.memory_space<semaphore_mem>> -> memref<1x!tpu.dma_semaphore, #tpu.memory_space<semaphore_mem>>
        %dma_start3A_424 = tpu.memref_squeeze %dma_start3A_423 : memref<1x!tpu.dma_semaphore, #tpu.memory_space<semaphore_mem>> -> memref<!tpu.dma_semaphore, #tpu.memory_space<semaphore_mem>>
        tpu.enqueue_indirect_dma source(%dma_start3A_422 : memref<100000x128xf32, #tpu.memory_space<hbm>>) target(%dma_start3A_416 : memref<128x128xf32, #tpu.memory_space<vmem>>) offsets(%dma_start3A_419 : memref<128xi32, #tpu.memory_space<vmem>>) semaphore(%dma_start3A_424 : memref<!tpu.dma_semaphore, #tpu.memory_space<semaphore_mem>>)
      } else {
      }
      %dma_wait3A_271 = arith.constant 2 : i32
      %dma_wait3A_272 = arith.constant 2 : i32
      %dma_wait3A_273 = arith.constant 0 : i32
      %dma_wait3A_274 = arith.constant 0 : i32
      %dma_wait3A_275 = tpu.memref_slice %arg6[%dma_wait3A_271, %dma_wait3A_273, %dma_wait3A_274] : memref<5x128x128xf32, #tpu.memory_space<vmem>> -> memref<1x128x128xf32, #tpu.memory_space<vmem>>
      %dma_wait3A_276 = tpu.memref_squeeze %dma_wait3A_275 : memref<1x128x128xf32, #tpu.memory_space<vmem>> -> memref<128x128xf32, #tpu.memory_space<vmem>>
      %dma_wait3A_277 = arith.constant 0 : i32
      %dma_wait3A_278 = tpu.memref_slice %arg5[%add3A_261, %dma_wait3A_277] : memref<50x128xi32, #tpu.memory_space<vmem>> -> memref<1x128xi32, #tpu.memory_space<vmem>>
      %dma_wait3A_279 = tpu.memref_squeeze %dma_wait3A_278 : memref<1x128xi32, #tpu.memory_space<vmem>> -> memref<128xi32, #tpu.memory_space<vmem>>
      %dma_wait3A_280 = arith.constant 0 : i32
      %dma_wait3A_281 = arith.constant 0 : i32
      %dma_wait3A_282 = tpu.memref_slice %arg3[%dma_wait3A_280, %dma_wait3A_281] : memref<100000x128xf32, #tpu.memory_space<hbm>> -> memref<100000x128xf32, #tpu.memory_space<hbm>>
      %dma_wait3A_283 = tpu.memref_slice %arg7[%dma_wait3A_272] : memref<5x!tpu.dma_semaphore, #tpu.memory_space<semaphore_mem>> -> memref<1x!tpu.dma_semaphore, #tpu.memory_space<semaphore_mem>>
      %dma_wait3A_284 = tpu.memref_squeeze %dma_wait3A_283 : memref<1x!tpu.dma_semaphore, #tpu.memory_space<semaphore_mem>> -> memref<!tpu.dma_semaphore, #tpu.memory_space<semaphore_mem>>
      tpu.wait_indirect_dma semaphore(%dma_wait3A_284 : memref<!tpu.dma_semaphore, #tpu.memory_space<semaphore_mem>>) src(%dma_wait3A_282 : memref<100000x128xf32, #tpu.memory_space<hbm>>) dst(%dma_wait3A_276 : memref<128x128xf32, #tpu.memory_space<vmem>>)
      %parallel_loop3A_285 = arith.constant 0 : i32
      %parallel_loop3A_286 = arith.constant 128 : i32
      %parallel_loop3A_287 = arith.constant 1 : i32
      scf.for %parallel_loop3A_407 = %parallel_loop3A_285 to %parallel_loop3A_286 step %parallel_loop3A_287  : i32 {
        %parallel_loop3A_408 = arith.constant 2 : i32
        %parallel_loop3A_409 = arith.index_cast %parallel_loop3A_408 : i32 to index
        %parallel_loop3A_410 = arith.index_cast %parallel_loop3A_407 : i32 to index
        %parallel_loop3A_411 = arith.constant 0 : index
        %parallel_loop3A_412 = tpu.vector_load %arg6[%parallel_loop3A_409, %parallel_loop3A_410, %parallel_loop3A_411] {strides = array<i32>} : memref<5x128x128xf32, #tpu.memory_space<vmem>>, vector<1x1x16xf32>,
        %parallel_loop3A_413 = vector.shape_cast %parallel_loop3A_412 : vector<1x1x16xf32> to vector<16xf32>
        %parallel_loop3A_414 = arith.constant 11.3137083 : f32
        %parallel_loop3A_415 = vector.broadcast %parallel_loop3A_414 : f32 to vector<16xf32>
        %parallel_loop3A_416 = arith.mulf %parallel_loop3A_413, %parallel_loop3A_415 : vector<16xf32>
        %parallel_loop3A_417 = arith.constant 2 : i32
        %parallel_loop3A_418 = arith.index_cast %parallel_loop3A_417 : i32 to index
        %parallel_loop3A_419 = arith.index_cast %parallel_loop3A_407 : i32 to index
        %parallel_loop3A_420 = arith.constant 0 : index
        %parallel_loop3A_421 = tpu.vector_load %arg6[%parallel_loop3A_418, %parallel_loop3A_419, %parallel_loop3A_420] {strides = array<i32>} : memref<5x128x128xf32, #tpu.memory_space<vmem>>, vector<1x1x16xf32>,
        %parallel_loop3A_422 = vector.shape_cast %parallel_loop3A_421 : vector<1x1x16xf32> to vector<16xf32>
        %parallel_loop3A_423 = vector.shape_cast %parallel_loop3A_416 : vector<16xf32> to vector<1x1x16xf32>
        tpu.vector_store %arg6[%parallel_loop3A_418, %parallel_loop3A_419, %parallel_loop3A_420], %parallel_loop3A_423 {strides = array<i32>} : memref<5x128x128xf32, #tpu.memory_space<vmem>>, vector<1x1x16xf32>,
        %parallel_loop3A_424 = arith.constant 2 : i32
        %parallel_loop3A_425 = arith.index_cast %parallel_loop3A_424 : i32 to index
        %parallel_loop3A_426 = arith.index_cast %parallel_loop3A_407 : i32 to index
        %parallel_loop3A_427 = arith.constant 16 : index
        %parallel_loop3A_428 = tpu.vector_load %arg6[%parallel_loop3A_425, %parallel_loop3A_426, %parallel_loop3A_427] {strides = array<i32>} : memref<5x128x128xf32, #tpu.memory_space<vmem>>, vector<1x1x16xf32>,
        %parallel_loop3A_429 = vector.shape_cast %parallel_loop3A_428 : vector<1x1x16xf32> to vector<16xf32>
        %parallel_loop3A_430 = arith.constant 11.3137083 : f32
        %parallel_loop3A_431 = vector.broadcast %parallel_loop3A_430 : f32 to vector<16xf32>
        %parallel_loop3A_432 = arith.mulf %parallel_loop3A_429, %parallel_loop3A_431 : vector<16xf32>
        %parallel_loop3A_433 = arith.constant 2 : i32
        %parallel_loop3A_434 = arith.index_cast %parallel_loop3A_433 : i32 to index
        %parallel_loop3A_435 = arith.index_cast %parallel_loop3A_407 : i32 to index
        %parallel_loop3A_436 = arith.constant 16 : index
        %parallel_loop3A_437 = tpu.vector_load %arg6[%parallel_loop3A_434, %parallel_loop3A_435, %parallel_loop3A_436] {strides = array<i32>} : memref<5x128x128xf32, #tpu.memory_space<vmem>>, vector<1x1x16xf32>,
        %parallel_loop3A_438 = vector.shape_cast %parallel_loop3A_437 : vector<1x1x16xf32> to vector<16xf32>
        %parallel_loop3A_439 = vector.shape_cast %parallel_loop3A_432 : vector<16xf32> to vector<1x1x16xf32>
        tpu.vector_store %arg6[%parallel_loop3A_434, %parallel_loop3A_435, %parallel_loop3A_436], %parallel_loop3A_439 {strides = array<i32>} : memref<5x128x128xf32, #tpu.memory_space<vmem>>, vector<1x1x16xf32>,
        %parallel_loop3A_440 = arith.constant 2 : i32
        %parallel_loop3A_441 = arith.index_cast %parallel_loop3A_440 : i32 to index
        %parallel_loop3A_442 = arith.index_cast %parallel_loop3A_407 : i32 to index
        %parallel_loop3A_443 = arith.constant 32 : index
        %parallel_loop3A_444 = tpu.vector_load %arg6[%parallel_loop3A_441, %parallel_loop3A_442, %parallel_loop3A_443] {strides = array<i32>} : memref<5x128x128xf32, #tpu.memory_space<vmem>>, vector<1x1x16xf32>,
        %parallel_loop3A_445 = vector.shape_cast %parallel_loop3A_444 : vector<1x1x16xf32> to vector<16xf32>
        %parallel_loop3A_446 = arith.constant 11.3137083 : f32
        %parallel_loop3A_447 = vector.broadcast %parallel_loop3A_446 : f32 to vector<16xf32>
        %parallel_loop3A_448 = arith.mulf %parallel_loop3A_445, %parallel_loop3A_447 : vector<16xf32>
        %parallel_loop3A_449 = arith.constant 2 : i32
        %parallel_loop3A_450 = arith.index_cast %parallel_loop3A_449 : i32 to index
        %parallel_loop3A_451 = arith.index_cast %parallel_loop3A_407 : i32 to index
        %parallel_loop3A_452 = arith.constant 32 : index
        %parallel_loop3A_453 = tpu.vector_load %arg6[%parallel_loop3A_450, %parallel_loop3A_451, %parallel_loop3A_452] {strides = array<i32>} : memref<5x128x128xf32, #tpu.memory_space<vmem>>, vector<1x1x16xf32>,
        %parallel_loop3A_454 = vector.shape_cast %parallel_loop3A_453 : vector<1x1x16xf32> to vector<16xf32>
        %parallel_loop3A_455 = vector.shape_cast %parallel_loop3A_448 : vector<16xf32> to vector<1x1x16xf32>
        tpu.vector_store %arg6[%parallel_loop3A_450, %parallel_loop3A_451, %parallel_loop3A_452], %parallel_loop3A_455 {strides = array<i32>} : memref<5x128x128xf32, #tpu.memory_space<vmem>>, vector<1x1x16xf32>,
        %parallel_loop3A_456 = arith.constant 2 : i32
        %parallel_loop3A_457 = arith.index_cast %parallel_loop3A_456 : i32 to index
        %parallel_loop3A_458 = arith.index_cast %parallel_loop3A_407 : i32 to index
        %parallel_loop3A_459 = arith.constant 48 : index
        %parallel_loop3A_460 = tpu.vector_load %arg6[%parallel_loop3A_457, %parallel_loop3A_458, %parallel_loop3A_459] {strides = array<i32>} : memref<5x128x128xf32, #tpu.memory_space<vmem>>, vector<1x1x16xf32>,
        %parallel_loop3A_461 = vector.shape_cast %parallel_loop3A_460 : vector<1x1x16xf32> to vector<16xf32>
        %parallel_loop3A_462 = arith.constant 11.3137083 : f32
        %parallel_loop3A_463 = vector.broadcast %parallel_loop3A_462 : f32 to vector<16xf32>
        %parallel_loop3A_464 = arith.mulf %parallel_loop3A_461, %parallel_loop3A_463 : vector<16xf32>
        %parallel_loop3A_465 = arith.constant 2 : i32
        %parallel_loop3A_466 = arith.index_cast %parallel_loop3A_465 : i32 to index
        %parallel_loop3A_467 = arith.index_cast %parallel_loop3A_407 : i32 to index
        %parallel_loop3A_468 = arith.constant 48 : index
        %parallel_loop3A_469 = tpu.vector_load %arg6[%parallel_loop3A_466, %parallel_loop3A_467, %parallel_loop3A_468] {strides = array<i32>} : memref<5x128x128xf32, #tpu.memory_space<vmem>>, vector<1x1x16xf32>,
        %parallel_loop3A_470 = vector.shape_cast %parallel_loop3A_469 : vector<1x1x16xf32> to vector<16xf32>
        %parallel_loop3A_471 = vector.shape_cast %parallel_loop3A_464 : vector<16xf32> to vector<1x1x16xf32>
        tpu.vector_store %arg6[%parallel_loop3A_466, %parallel_loop3A_467, %parallel_loop3A_468], %parallel_loop3A_471 {strides = array<i32>} : memref<5x128x128xf32, #tpu.memory_space<vmem>>, vector<1x1x16xf32>,
        %parallel_loop3A_472 = arith.constant 2 : i32
        %parallel_loop3A_473 = arith.index_cast %parallel_loop3A_472 : i32 to index
        %parallel_loop3A_474 = arith.index_cast %parallel_loop3A_407 : i32 to index
        %parallel_loop3A_475 = arith.constant 64 : index
        %parallel_loop3A_476 = tpu.vector_load %arg6[%parallel_loop3A_473, %parallel_loop3A_474, %parallel_loop3A_475] {strides = array<i32>} : memref<5x128x128xf32, #tpu.memory_space<vmem>>, vector<1x1x16xf32>,
        %parallel_loop3A_477 = vector.shape_cast %parallel_loop3A_476 : vector<1x1x16xf32> to vector<16xf32>
        %parallel_loop3A_478 = arith.constant 11.3137083 : f32
        %parallel_loop3A_479 = vector.broadcast %parallel_loop3A_478 : f32 to vector<16xf32>
        %parallel_loop3A_480 = arith.mulf %parallel_loop3A_477, %parallel_loop3A_479 : vector<16xf32>
        %parallel_loop3A_481 = arith.constant 2 : i32
        %parallel_loop3A_482 = arith.index_cast %parallel_loop3A_481 : i32 to index
        %parallel_loop3A_483 = arith.index_cast %parallel_loop3A_407 : i32 to index
        %parallel_loop3A_484 = arith.constant 64 : index
        %parallel_loop3A_485 = tpu.vector_load %arg6[%parallel_loop3A_482, %parallel_loop3A_483, %parallel_loop3A_484] {strides = array<i32>} : memref<5x128x128xf32, #tpu.memory_space<vmem>>, vector<1x1x16xf32>,
        %parallel_loop3A_486 = vector.shape_cast %parallel_loop3A_485 : vector<1x1x16xf32> to vector<16xf32>
        %parallel_loop3A_487 = vector.shape_cast %parallel_loop3A_480 : vector<16xf32> to vector<1x1x16xf32>
        tpu.vector_store %arg6[%parallel_loop3A_482, %parallel_loop3A_483, %parallel_loop3A_484], %parallel_loop3A_487 {strides = array<i32>} : memref<5x128x128xf32, #tpu.memory_space<vmem>>, vector<1x1x16xf32>,
        %parallel_loop3A_488 = arith.constant 2 : i32
        %parallel_loop3A_489 = arith.index_cast %parallel_loop3A_488 : i32 to index
        %parallel_loop3A_490 = arith.index_cast %parallel_loop3A_407 : i32 to index
        %parallel_loop3A_491 = arith.constant 80 : index
        %parallel_loop3A_492 = tpu.vector_load %arg6[%parallel_loop3A_489, %parallel_loop3A_490, %parallel_loop3A_491] {strides = array<i32>} : memref<5x128x128xf32, #tpu.memory_space<vmem>>, vector<1x1x16xf32>,
        %parallel_loop3A_493 = vector.shape_cast %parallel_loop3A_492 : vector<1x1x16xf32> to vector<16xf32>
        %parallel_loop3A_494 = arith.constant 11.3137083 : f32
        %parallel_loop3A_495 = vector.broadcast %parallel_loop3A_494 : f32 to vector<16xf32>
        %parallel_loop3A_496 = arith.mulf %parallel_loop3A_493, %parallel_loop3A_495 : vector<16xf32>
        %parallel_loop3A_497 = arith.constant 2 : i32
        %parallel_loop3A_498 = arith.index_cast %parallel_loop3A_497 : i32 to index
        %parallel_loop3A_499 = arith.index_cast %parallel_loop3A_407 : i32 to index
        %parallel_loop3A_500 = arith.constant 80 : index
        %parallel_loop3A_501 = tpu.vector_load %arg6[%parallel_loop3A_498, %parallel_loop3A_499, %parallel_loop3A_500] {strides = array<i32>} : memref<5x128x128xf32, #tpu.memory_space<vmem>>, vector<1x1x16xf32>,
        %parallel_loop3A_502 = vector.shape_cast %parallel_loop3A_501 : vector<1x1x16xf32> to vector<16xf32>
        %parallel_loop3A_503 = vector.shape_cast %parallel_loop3A_496 : vector<16xf32> to vector<1x1x16xf32>
        tpu.vector_store %arg6[%parallel_loop3A_498, %parallel_loop3A_499, %parallel_loop3A_500], %parallel_loop3A_503 {strides = array<i32>} : memref<5x128x128xf32, #tpu.memory_space<vmem>>, vector<1x1x16xf32>,
        %parallel_loop3A_504 = arith.constant 2 : i32
        %parallel_loop3A_505 = arith.index_cast %parallel_loop3A_504 : i32 to index
        %parallel_loop3A_506 = arith.index_cast %parallel_loop3A_407 : i32 to index
        %parallel_loop3A_507 = arith.constant 96 : index
        %parallel_loop3A_508 = tpu.vector_load %arg6[%parallel_loop3A_505, %parallel_loop3A_506, %parallel_loop3A_507] {strides = array<i32>} : memref<5x128x128xf32, #tpu.memory_space<vmem>>, vector<1x1x16xf32>,
        %parallel_loop3A_509 = vector.shape_cast %parallel_loop3A_508 : vector<1x1x16xf32> to vector<16xf32>
        %parallel_loop3A_510 = arith.constant 11.3137083 : f32
        %parallel_loop3A_511 = vector.broadcast %parallel_loop3A_510 : f32 to vector<16xf32>
        %parallel_loop3A_512 = arith.mulf %parallel_loop3A_509, %parallel_loop3A_511 : vector<16xf32>
        %parallel_loop3A_513 = arith.constant 2 : i32
        %parallel_loop3A_514 = arith.index_cast %parallel_loop3A_513 : i32 to index
        %parallel_loop3A_515 = arith.index_cast %parallel_loop3A_407 : i32 to index
        %parallel_loop3A_516 = arith.constant 96 : index
        %parallel_loop3A_517 = tpu.vector_load %arg6[%parallel_loop3A_514, %parallel_loop3A_515, %parallel_loop3A_516] {strides = array<i32>} : memref<5x128x128xf32, #tpu.memory_space<vmem>>, vector<1x1x16xf32>,
        %parallel_loop3A_518 = vector.shape_cast %parallel_loop3A_517 : vector<1x1x16xf32> to vector<16xf32>
        %parallel_loop3A_519 = vector.shape_cast %parallel_loop3A_512 : vector<16xf32> to vector<1x1x16xf32>
        tpu.vector_store %arg6[%parallel_loop3A_514, %parallel_loop3A_515, %parallel_loop3A_516], %parallel_loop3A_519 {strides = array<i32>} : memref<5x128x128xf32, #tpu.memory_space<vmem>>, vector<1x1x16xf32>,
        %parallel_loop3A_520 = arith.constant 2 : i32
        %parallel_loop3A_521 = arith.index_cast %parallel_loop3A_520 : i32 to index
        %parallel_loop3A_522 = arith.index_cast %parallel_loop3A_407 : i32 to index
        %parallel_loop3A_523 = arith.constant 112 : index
        %parallel_loop3A_524 = tpu.vector_load %arg6[%parallel_loop3A_521, %parallel_loop3A_522, %parallel_loop3A_523] {strides = array<i32>} : memref<5x128x128xf32, #tpu.memory_space<vmem>>, vector<1x1x16xf32>,
        %parallel_loop3A_525 = vector.shape_cast %parallel_loop3A_524 : vector<1x1x16xf32> to vector<16xf32>
        %parallel_loop3A_526 = arith.constant 11.3137083 : f32
        %parallel_loop3A_527 = vector.broadcast %parallel_loop3A_526 : f32 to vector<16xf32>
        %parallel_loop3A_528 = arith.mulf %parallel_loop3A_525, %parallel_loop3A_527 : vector<16xf32>
        %parallel_loop3A_529 = arith.constant 2 : i32
        %parallel_loop3A_530 = arith.index_cast %parallel_loop3A_529 : i32 to index
        %parallel_loop3A_531 = arith.index_cast %parallel_loop3A_407 : i32 to index
        %parallel_loop3A_532 = arith.constant 112 : index
        %parallel_loop3A_533 = tpu.vector_load %arg6[%parallel_loop3A_530, %parallel_loop3A_531, %parallel_loop3A_532] {strides = array<i32>} : memref<5x128x128xf32, #tpu.memory_space<vmem>>, vector<1x1x16xf32>,
        %parallel_loop3A_534 = vector.shape_cast %parallel_loop3A_533 : vector<1x1x16xf32> to vector<16xf32>
        %parallel_loop3A_535 = vector.shape_cast %parallel_loop3A_528 : vector<16xf32> to vector<1x1x16xf32>
        tpu.vector_store %arg6[%parallel_loop3A_530, %parallel_loop3A_531, %parallel_loop3A_532], %parallel_loop3A_535 {strides = array<i32>} : memref<5x128x128xf32, #tpu.memory_space<vmem>>, vector<1x1x16xf32>,
      } {sc.loop_unroll_factor = 4 : i64, sc.parallel_access}
      %mul3A_288 = arith.constant 32 : i32
      %mul3A_289 = arith.muli %add3A_261, %mul3A_288 : i32
      %add3A_290 = arith.addi %mul3A_289, %add3A : i32
      %mul3A_291 = arith.constant 128 : i32
      %mul3A_292 = arith.muli %add3A_290, %mul3A_291 : i32
      %dma_start3A_293 = arith.constant 2 : i32
      %dma_start3A_294 = arith.constant 2 : i32
      %dma_start3A_295 = arith.constant 0 : i32
      %dma_start3A_296 = arith.constant 0 : i32
      %dma_start3A_297 = tpu.memref_slice %arg6[%dma_start3A_293, %dma_start3A_295, %dma_start3A_296] : memref<5x128x128xf32, #tpu.memory_space<vmem>> -> memref<1x128x128xf32, #tpu.memory_space<vmem>>
      %dma_start3A_298 = tpu.memref_squeeze %dma_start3A_297 : memref<1x128x128xf32, #tpu.memory_space<vmem>> -> memref<128x128xf32, #tpu.memory_space<vmem>>
      %dma_start3A_299 = arith.constant 0 : i32
      %dma_start3A_300 = tpu.memref_slice %arg4[%mul3A_292, %dma_start3A_299] : memref<204800x128xf32, #tpu.memory_space<hbm>> -> memref<128x128xf32, #tpu.memory_space<hbm>>
      %dma_start3A_301 = tpu.memref_slice %arg8[%dma_start3A_294] : memref<5x!tpu.dma_semaphore, #tpu.memory_space<semaphore_mem>> -> memref<1x!tpu.dma_semaphore, #tpu.memory_space<semaphore_mem>>
      %dma_start3A_302 = tpu.memref_squeeze %dma_start3A_301 : memref<1x!tpu.dma_semaphore, #tpu.memory_space<semaphore_mem>> -> memref<!tpu.dma_semaphore, #tpu.memory_space<semaphore_mem>>
      %dma_start3A_303 = arith.constant 0 : i32
      %dma_start3A_304 = tpu.memref_slice %arg4[%mul3A_292, %dma_start3A_303] : memref<204800x128xf32, #tpu.memory_space<hbm>> -> memref<128x128xf32, #tpu.memory_space<hbm>>
      %dma_start3A_305 = arith.constant 0 : i32
      %dma_start3A_306 = arith.constant 0 : i32
      %dma_start3A_307 = tpu.memref_slice %arg6[%dma_start3A_293, %dma_start3A_305, %dma_start3A_306] : memref<5x128x128xf32, #tpu.memory_space<vmem>> -> memref<1x128x128xf32, #tpu.memory_space<vmem>>
      %dma_start3A_308 = tpu.memref_squeeze %dma_start3A_307 : memref<1x128x128xf32, #tpu.memory_space<vmem>> -> memref<128x128xf32, #tpu.memory_space<vmem>>
      tpu.enqueue_dma source(%dma_start3A_308 : memref<128x128xf32, #tpu.memory_space<vmem>>) target(%dma_start3A_304 : memref<128x128xf32, #tpu.memory_space<hbm>>) target_semaphore(%dma_start3A_302 : memref<!tpu.dma_semaphore, #tpu.memory_space<semaphore_mem>>)
      %add3A_309 = arith.constant 3 : i32
      %add3A_310 = arith.addi %mul3A_166, %add3A_309 : i32
      %add3A_311 = arith.constant 5 : i32
      %add3A_312 = arith.addi %add3A_310, %add3A_311 : i32
      %sub3A_313 = arith.constant 1 : i32
      %sub3A_314 = arith.subi %add3A_312, %sub3A_313 : i32
      %lt3A_315 = arith.constant 50 : i32
      %lt3A_316 = arith.cmpi slt, %sub3A_314, %lt3A_315 : i32
      %convert_element_type3A_317 = arith.extui %lt3A_316 : i1 to i32
      %cond3A_318 = arith.constant 0 : i32
      %cond3A_319 = arith.cmpi ne, %convert_element_type3A_317, %cond3A_318 : i32
      scf.if %cond3A_319 {
        %ge3A = arith.constant 5 : i32
        %ge3A_407 = arith.cmpi sge, %sub3A_314, %ge3A : i32
        %convert_element_type3A_408 = arith.extui %ge3A_407 : i1 to i32
        %cond3A_409 = arith.constant 0 : i32
        %cond3A_410 = arith.cmpi ne, %convert_element_type3A_408, %cond3A_409 : i32
        scf.if %cond3A_410 {
          %sub3A_425 = arith.constant 5 : i32
          %sub3A_426 = arith.subi %sub3A_314, %sub3A_425 : i32
          %mul3A_427 = arith.constant 32 : i32
          %mul3A_428 = arith.muli %sub3A_426, %mul3A_427 : i32
          %add3A_429 = arith.addi %mul3A_428, %add3A : i32
          %mul3A_430 = arith.constant 128 : i32
          %mul3A_431 = arith.muli %add3A_429, %mul3A_430 : i32
          %dma_wait3A_432 = arith.constant 2 : i32
          %dma_wait3A_433 = arith.constant 2 : i32
          %dma_wait3A_434 = arith.constant 0 : i32
          %dma_wait3A_435 = arith.constant 0 : i32
          %dma_wait3A_436 = tpu.memref_slice %arg6[%dma_wait3A_432, %dma_wait3A_434, %dma_wait3A_435] : memref<5x128x128xf32, #tpu.memory_space<vmem>> -> memref<1x128x128xf32, #tpu.memory_space<vmem>>
          %dma_wait3A_437 = tpu.memref_squeeze %dma_wait3A_436 : memref<1x128x128xf32, #tpu.memory_space<vmem>> -> memref<128x128xf32, #tpu.memory_space<vmem>>
          %dma_wait3A_438 = arith.constant 0 : i32
          %dma_wait3A_439 = tpu.memref_slice %arg4[%mul3A_431, %dma_wait3A_438] : memref<204800x128xf32, #tpu.memory_space<hbm>> -> memref<128x128xf32, #tpu.memory_space<hbm>>
          %dma_wait3A_440 = tpu.memref_slice %arg8[%dma_wait3A_433] : memref<5x!tpu.dma_semaphore, #tpu.memory_space<semaphore_mem>> -> memref<1x!tpu.dma_semaphore, #tpu.memory_space<semaphore_mem>>
          %dma_wait3A_441 = tpu.memref_squeeze %dma_wait3A_440 : memref<1x!tpu.dma_semaphore, #tpu.memory_space<semaphore_mem>> -> memref<!tpu.dma_semaphore, #tpu.memory_space<semaphore_mem>>
          %dma_wait3A_442 = arith.constant 0 : i32
          %dma_wait3A_443 = tpu.memref_slice %arg4[%mul3A_431, %dma_wait3A_442] : memref<204800x128xf32, #tpu.memory_space<hbm>> -> memref<128x128xf32, #tpu.memory_space<hbm>>
          %dma_wait3A_444 = arith.constant 0 : i32
          %dma_wait3A_445 = arith.constant 0 : i32
          %dma_wait3A_446 = tpu.memref_slice %arg6[%dma_wait3A_432, %dma_wait3A_444, %dma_wait3A_445] : memref<5x128x128xf32, #tpu.memory_space<vmem>> -> memref<1x128x128xf32, #tpu.memory_space<vmem>>
          %dma_wait3A_447 = tpu.memref_squeeze %dma_wait3A_446 : memref<1x128x128xf32, #tpu.memory_space<vmem>> -> memref<128x128xf32, #tpu.memory_space<vmem>>
          tpu.wait_dma2 semaphore(%dma_wait3A_441 : memref<!tpu.dma_semaphore, #tpu.memory_space<semaphore_mem>>) src(%dma_wait3A_447 : memref<128x128xf32, #tpu.memory_space<vmem>>) dst(%dma_wait3A_443 : memref<128x128xf32, #tpu.memory_space<hbm>>)
        } else {
        }
        %dma_start3A_411 = arith.constant 2 : i32
        %dma_start3A_412 = arith.constant 2 : i32
        %dma_start3A_413 = arith.constant 0 : i32
        %dma_start3A_414 = arith.constant 0 : i32
        %dma_start3A_415 = tpu.memref_slice %arg6[%dma_start3A_411, %dma_start3A_413, %dma_start3A_414] : memref<5x128x128xf32, #tpu.memory_space<vmem>> -> memref<1x128x128xf32, #tpu.memory_space<vmem>>
        %dma_start3A_416 = tpu.memref_squeeze %dma_start3A_415 : memref<1x128x128xf32, #tpu.memory_space<vmem>> -> memref<128x128xf32, #tpu.memory_space<vmem>>
        %dma_start3A_417 = arith.constant 0 : i32
        %dma_start3A_418 = tpu.memref_slice %arg5[%sub3A_314, %dma_start3A_417] : memref<50x128xi32, #tpu.memory_space<vmem>> -> memref<1x128xi32, #tpu.memory_space<vmem>>
        %dma_start3A_419 = tpu.memref_squeeze %dma_start3A_418 : memref<1x128xi32, #tpu.memory_space<vmem>> -> memref<128xi32, #tpu.memory_space<vmem>>
        %dma_start3A_420 = arith.constant 0 : i32
        %dma_start3A_421 = arith.constant 0 : i32
        %dma_start3A_422 = tpu.memref_slice %arg3[%dma_start3A_420, %dma_start3A_421] : memref<100000x128xf32, #tpu.memory_space<hbm>> -> memref<100000x128xf32, #tpu.memory_space<hbm>>
        %dma_start3A_423 = tpu.memref_slice %arg7[%dma_start3A_412] : memref<5x!tpu.dma_semaphore, #tpu.memory_space<semaphore_mem>> -> memref<1x!tpu.dma_semaphore, #tpu.memory_space<semaphore_mem>>
        %dma_start3A_424 = tpu.memref_squeeze %dma_start3A_423 : memref<1x!tpu.dma_semaphore, #tpu.memory_space<semaphore_mem>> -> memref<!tpu.dma_semaphore, #tpu.memory_space<semaphore_mem>>
        tpu.enqueue_indirect_dma source(%dma_start3A_422 : memref<100000x128xf32, #tpu.memory_space<hbm>>) target(%dma_start3A_416 : memref<128x128xf32, #tpu.memory_space<vmem>>) offsets(%dma_start3A_419 : memref<128xi32, #tpu.memory_space<vmem>>) semaphore(%dma_start3A_424 : memref<!tpu.dma_semaphore, #tpu.memory_space<semaphore_mem>>)
      } else {
      }
      %dma_wait3A_320 = arith.constant 3 : i32
      %dma_wait3A_321 = arith.constant 3 : i32
      %dma_wait3A_322 = arith.constant 0 : i32
      %dma_wait3A_323 = arith.constant 0 : i32
      %dma_wait3A_324 = tpu.memref_slice %arg6[%dma_wait3A_320, %dma_wait3A_322, %dma_wait3A_323] : memref<5x128x128xf32, #tpu.memory_space<vmem>> -> memref<1x128x128xf32, #tpu.memory_space<vmem>>
      %dma_wait3A_325 = tpu.memref_squeeze %dma_wait3A_324 : memref<1x128x128xf32, #tpu.memory_space<vmem>> -> memref<128x128xf32, #tpu.memory_space<vmem>>
      %dma_wait3A_326 = arith.constant 0 : i32
      %dma_wait3A_327 = tpu.memref_slice %arg5[%add3A_310, %dma_wait3A_326] : memref<50x128xi32, #tpu.memory_space<vmem>> -> memref<1x128xi32, #tpu.memory_space<vmem>>
      %dma_wait3A_328 = tpu.memref_squeeze %dma_wait3A_327 : memref<1x128xi32, #tpu.memory_space<vmem>> -> memref<128xi32, #tpu.memory_space<vmem>>
      %dma_wait3A_329 = arith.constant 0 : i32
      %dma_wait3A_330 = arith.constant 0 : i32
      %dma_wait3A_331 = tpu.memref_slice %arg3[%dma_wait3A_329, %dma_wait3A_330] : memref<100000x128xf32, #tpu.memory_space<hbm>> -> memref<100000x128xf32, #tpu.memory_space<hbm>>
      %dma_wait3A_332 = tpu.memref_slice %arg7[%dma_wait3A_321] : memref<5x!tpu.dma_semaphore, #tpu.memory_space<semaphore_mem>> -> memref<1x!tpu.dma_semaphore, #tpu.memory_space<semaphore_mem>>
      %dma_wait3A_333 = tpu.memref_squeeze %dma_wait3A_332 : memref<1x!tpu.dma_semaphore, #tpu.memory_space<semaphore_mem>> -> memref<!tpu.dma_semaphore, #tpu.memory_space<semaphore_mem>>
      tpu.wait_indirect_dma semaphore(%dma_wait3A_333 : memref<!tpu.dma_semaphore, #tpu.memory_space<semaphore_mem>>) src(%dma_wait3A_331 : memref<100000x128xf32, #tpu.memory_space<hbm>>) dst(%dma_wait3A_325 : memref<128x128xf32, #tpu.memory_space<vmem>>)
      %parallel_loop3A_334 = arith.constant 0 : i32
      %parallel_loop3A_335 = arith.constant 128 : i32
      %parallel_loop3A_336 = arith.constant 1 : i32
      scf.for %parallel_loop3A_407 = %parallel_loop3A_334 to %parallel_loop3A_335 step %parallel_loop3A_336  : i32 {
        %parallel_loop3A_408 = arith.constant 3 : i32
        %parallel_loop3A_409 = arith.index_cast %parallel_loop3A_408 : i32 to index
        %parallel_loop3A_410 = arith.index_cast %parallel_loop3A_407 : i32 to index
        %parallel_loop3A_411 = arith.constant 0 : index
        %parallel_loop3A_412 = tpu.vector_load %arg6[%parallel_loop3A_409, %parallel_loop3A_410, %parallel_loop3A_411] {strides = array<i32>} : memref<5x128x128xf32, #tpu.memory_space<vmem>>, vector<1x1x16xf32>,
        %parallel_loop3A_413 = vector.shape_cast %parallel_loop3A_412 : vector<1x1x16xf32> to vector<16xf32>
        %parallel_loop3A_414 = arith.constant 11.3137083 : f32
        %parallel_loop3A_415 = vector.broadcast %parallel_loop3A_414 : f32 to vector<16xf32>
        %parallel_loop3A_416 = arith.mulf %parallel_loop3A_413, %parallel_loop3A_415 : vector<16xf32>
        %parallel_loop3A_417 = arith.constant 3 : i32
        %parallel_loop3A_418 = arith.index_cast %parallel_loop3A_417 : i32 to index
        %parallel_loop3A_419 = arith.index_cast %parallel_loop3A_407 : i32 to index
        %parallel_loop3A_420 = arith.constant 0 : index
        %parallel_loop3A_421 = tpu.vector_load %arg6[%parallel_loop3A_418, %parallel_loop3A_419, %parallel_loop3A_420] {strides = array<i32>} : memref<5x128x128xf32, #tpu.memory_space<vmem>>, vector<1x1x16xf32>,
        %parallel_loop3A_422 = vector.shape_cast %parallel_loop3A_421 : vector<1x1x16xf32> to vector<16xf32>
        %parallel_loop3A_423 = vector.shape_cast %parallel_loop3A_416 : vector<16xf32> to vector<1x1x16xf32>
        tpu.vector_store %arg6[%parallel_loop3A_418, %parallel_loop3A_419, %parallel_loop3A_420], %parallel_loop3A_423 {strides = array<i32>} : memref<5x128x128xf32, #tpu.memory_space<vmem>>, vector<1x1x16xf32>,
        %parallel_loop3A_424 = arith.constant 3 : i32
        %parallel_loop3A_425 = arith.index_cast %parallel_loop3A_424 : i32 to index
        %parallel_loop3A_426 = arith.index_cast %parallel_loop3A_407 : i32 to index
        %parallel_loop3A_427 = arith.constant 16 : index
        %parallel_loop3A_428 = tpu.vector_load %arg6[%parallel_loop3A_425, %parallel_loop3A_426, %parallel_loop3A_427] {strides = array<i32>} : memref<5x128x128xf32, #tpu.memory_space<vmem>>, vector<1x1x16xf32>,
        %parallel_loop3A_429 = vector.shape_cast %parallel_loop3A_428 : vector<1x1x16xf32> to vector<16xf32>
        %parallel_loop3A_430 = arith.constant 11.3137083 : f32
        %parallel_loop3A_431 = vector.broadcast %parallel_loop3A_430 : f32 to vector<16xf32>
        %parallel_loop3A_432 = arith.mulf %parallel_loop3A_429, %parallel_loop3A_431 : vector<16xf32>
        %parallel_loop3A_433 = arith.constant 3 : i32
        %parallel_loop3A_434 = arith.index_cast %parallel_loop3A_433 : i32 to index
        %parallel_loop3A_435 = arith.index_cast %parallel_loop3A_407 : i32 to index
        %parallel_loop3A_436 = arith.constant 16 : index
        %parallel_loop3A_437 = tpu.vector_load %arg6[%parallel_loop3A_434, %parallel_loop3A_435, %parallel_loop3A_436] {strides = array<i32>} : memref<5x128x128xf32, #tpu.memory_space<vmem>>, vector<1x1x16xf32>,
        %parallel_loop3A_438 = vector.shape_cast %parallel_loop3A_437 : vector<1x1x16xf32> to vector<16xf32>
        %parallel_loop3A_439 = vector.shape_cast %parallel_loop3A_432 : vector<16xf32> to vector<1x1x16xf32>
        tpu.vector_store %arg6[%parallel_loop3A_434, %parallel_loop3A_435, %parallel_loop3A_436], %parallel_loop3A_439 {strides = array<i32>} : memref<5x128x128xf32, #tpu.memory_space<vmem>>, vector<1x1x16xf32>,
        %parallel_loop3A_440 = arith.constant 3 : i32
        %parallel_loop3A_441 = arith.index_cast %parallel_loop3A_440 : i32 to index
        %parallel_loop3A_442 = arith.index_cast %parallel_loop3A_407 : i32 to index
        %parallel_loop3A_443 = arith.constant 32 : index
        %parallel_loop3A_444 = tpu.vector_load %arg6[%parallel_loop3A_441, %parallel_loop3A_442, %parallel_loop3A_443] {strides = array<i32>} : memref<5x128x128xf32, #tpu.memory_space<vmem>>, vector<1x1x16xf32>,
        %parallel_loop3A_445 = vector.shape_cast %parallel_loop3A_444 : vector<1x1x16xf32> to vector<16xf32>
        %parallel_loop3A_446 = arith.constant 11.3137083 : f32
        %parallel_loop3A_447 = vector.broadcast %parallel_loop3A_446 : f32 to vector<16xf32>
        %parallel_loop3A_448 = arith.mulf %parallel_loop3A_445, %parallel_loop3A_447 : vector<16xf32>
        %parallel_loop3A_449 = arith.constant 3 : i32
        %parallel_loop3A_450 = arith.index_cast %parallel_loop3A_449 : i32 to index
        %parallel_loop3A_451 = arith.index_cast %parallel_loop3A_407 : i32 to index
        %parallel_loop3A_452 = arith.constant 32 : index
        %parallel_loop3A_453 = tpu.vector_load %arg6[%parallel_loop3A_450, %parallel_loop3A_451, %parallel_loop3A_452] {strides = array<i32>} : memref<5x128x128xf32, #tpu.memory_space<vmem>>, vector<1x1x16xf32>,
        %parallel_loop3A_454 = vector.shape_cast %parallel_loop3A_453 : vector<1x1x16xf32> to vector<16xf32>
        %parallel_loop3A_455 = vector.shape_cast %parallel_loop3A_448 : vector<16xf32> to vector<1x1x16xf32>
        tpu.vector_store %arg6[%parallel_loop3A_450, %parallel_loop3A_451, %parallel_loop3A_452], %parallel_loop3A_455 {strides = array<i32>} : memref<5x128x128xf32, #tpu.memory_space<vmem>>, vector<1x1x16xf32>,
        %parallel_loop3A_456 = arith.constant 3 : i32
        %parallel_loop3A_457 = arith.index_cast %parallel_loop3A_456 : i32 to index
        %parallel_loop3A_458 = arith.index_cast %parallel_loop3A_407 : i32 to index
        %parallel_loop3A_459 = arith.constant 48 : index
        %parallel_loop3A_460 = tpu.vector_load %arg6[%parallel_loop3A_457, %parallel_loop3A_458, %parallel_loop3A_459] {strides = array<i32>} : memref<5x128x128xf32, #tpu.memory_space<vmem>>, vector<1x1x16xf32>,
        %parallel_loop3A_461 = vector.shape_cast %parallel_loop3A_460 : vector<1x1x16xf32> to vector<16xf32>
        %parallel_loop3A_462 = arith.constant 11.3137083 : f32
        %parallel_loop3A_463 = vector.broadcast %parallel_loop3A_462 : f32 to vector<16xf32>
        %parallel_loop3A_464 = arith.mulf %parallel_loop3A_461, %parallel_loop3A_463 : vector<16xf32>
        %parallel_loop3A_465 = arith.constant 3 : i32
        %parallel_loop3A_466 = arith.index_cast %parallel_loop3A_465 : i32 to index
        %parallel_loop3A_467 = arith.index_cast %parallel_loop3A_407 : i32 to index
        %parallel_loop3A_468 = arith.constant 48 : index
        %parallel_loop3A_469 = tpu.vector_load %arg6[%parallel_loop3A_466, %parallel_loop3A_467, %parallel_loop3A_468] {strides = array<i32>} : memref<5x128x128xf32, #tpu.memory_space<vmem>>, vector<1x1x16xf32>,
        %parallel_loop3A_470 = vector.shape_cast %parallel_loop3A_469 : vector<1x1x16xf32> to vector<16xf32>
        %parallel_loop3A_471 = vector.shape_cast %parallel_loop3A_464 : vector<16xf32> to vector<1x1x16xf32>
        tpu.vector_store %arg6[%parallel_loop3A_466, %parallel_loop3A_467, %parallel_loop3A_468], %parallel_loop3A_471 {strides = array<i32>} : memref<5x128x128xf32, #tpu.memory_space<vmem>>, vector<1x1x16xf32>,
        %parallel_loop3A_472 = arith.constant 3 : i32
        %parallel_loop3A_473 = arith.index_cast %parallel_loop3A_472 : i32 to index
        %parallel_loop3A_474 = arith.index_cast %parallel_loop3A_407 : i32 to index
        %parallel_loop3A_475 = arith.constant 64 : index
        %parallel_loop3A_476 = tpu.vector_load %arg6[%parallel_loop3A_473, %parallel_loop3A_474, %parallel_loop3A_475] {strides = array<i32>} : memref<5x128x128xf32, #tpu.memory_space<vmem>>, vector<1x1x16xf32>,
        %parallel_loop3A_477 = vector.shape_cast %parallel_loop3A_476 : vector<1x1x16xf32> to vector<16xf32>
        %parallel_loop3A_478 = arith.constant 11.3137083 : f32
        %parallel_loop3A_479 = vector.broadcast %parallel_loop3A_478 : f32 to vector<16xf32>
        %parallel_loop3A_480 = arith.mulf %parallel_loop3A_477, %parallel_loop3A_479 : vector<16xf32>
        %parallel_loop3A_481 = arith.constant 3 : i32
        %parallel_loop3A_482 = arith.index_cast %parallel_loop3A_481 : i32 to index
        %parallel_loop3A_483 = arith.index_cast %parallel_loop3A_407 : i32 to index
        %parallel_loop3A_484 = arith.constant 64 : index
        %parallel_loop3A_485 = tpu.vector_load %arg6[%parallel_loop3A_482, %parallel_loop3A_483, %parallel_loop3A_484] {strides = array<i32>} : memref<5x128x128xf32, #tpu.memory_space<vmem>>, vector<1x1x16xf32>,
        %parallel_loop3A_486 = vector.shape_cast %parallel_loop3A_485 : vector<1x1x16xf32> to vector<16xf32>
        %parallel_loop3A_487 = vector.shape_cast %parallel_loop3A_480 : vector<16xf32> to vector<1x1x16xf32>
        tpu.vector_store %arg6[%parallel_loop3A_482, %parallel_loop3A_483, %parallel_loop3A_484], %parallel_loop3A_487 {strides = array<i32>} : memref<5x128x128xf32, #tpu.memory_space<vmem>>, vector<1x1x16xf32>,
        %parallel_loop3A_488 = arith.constant 3 : i32
        %parallel_loop3A_489 = arith.index_cast %parallel_loop3A_488 : i32 to index
        %parallel_loop3A_490 = arith.index_cast %parallel_loop3A_407 : i32 to index
        %parallel_loop3A_491 = arith.constant 80 : index
        %parallel_loop3A_492 = tpu.vector_load %arg6[%parallel_loop3A_489, %parallel_loop3A_490, %parallel_loop3A_491] {strides = array<i32>} : memref<5x128x128xf32, #tpu.memory_space<vmem>>, vector<1x1x16xf32>,
        %parallel_loop3A_493 = vector.shape_cast %parallel_loop3A_492 : vector<1x1x16xf32> to vector<16xf32>
        %parallel_loop3A_494 = arith.constant 11.3137083 : f32
        %parallel_loop3A_495 = vector.broadcast %parallel_loop3A_494 : f32 to vector<16xf32>
        %parallel_loop3A_496 = arith.mulf %parallel_loop3A_493, %parallel_loop3A_495 : vector<16xf32>
        %parallel_loop3A_497 = arith.constant 3 : i32
        %parallel_loop3A_498 = arith.index_cast %parallel_loop3A_497 : i32 to index
        %parallel_loop3A_499 = arith.index_cast %parallel_loop3A_407 : i32 to index
        %parallel_loop3A_500 = arith.constant 80 : index
        %parallel_loop3A_501 = tpu.vector_load %arg6[%parallel_loop3A_498, %parallel_loop3A_499, %parallel_loop3A_500] {strides = array<i32>} : memref<5x128x128xf32, #tpu.memory_space<vmem>>, vector<1x1x16xf32>,
        %parallel_loop3A_502 = vector.shape_cast %parallel_loop3A_501 : vector<1x1x16xf32> to vector<16xf32>
        %parallel_loop3A_503 = vector.shape_cast %parallel_loop3A_496 : vector<16xf32> to vector<1x1x16xf32>
        tpu.vector_store %arg6[%parallel_loop3A_498, %parallel_loop3A_499, %parallel_loop3A_500], %parallel_loop3A_503 {strides = array<i32>} : memref<5x128x128xf32, #tpu.memory_space<vmem>>, vector<1x1x16xf32>,
        %parallel_loop3A_504 = arith.constant 3 : i32
        %parallel_loop3A_505 = arith.index_cast %parallel_loop3A_504 : i32 to index
        %parallel_loop3A_506 = arith.index_cast %parallel_loop3A_407 : i32 to index
        %parallel_loop3A_507 = arith.constant 96 : index
        %parallel_loop3A_508 = tpu.vector_load %arg6[%parallel_loop3A_505, %parallel_loop3A_506, %parallel_loop3A_507] {strides = array<i32>} : memref<5x128x128xf32, #tpu.memory_space<vmem>>, vector<1x1x16xf32>,
        %parallel_loop3A_509 = vector.shape_cast %parallel_loop3A_508 : vector<1x1x16xf32> to vector<16xf32>
        %parallel_loop3A_510 = arith.constant 11.3137083 : f32
        %parallel_loop3A_511 = vector.broadcast %parallel_loop3A_510 : f32 to vector<16xf32>
        %parallel_loop3A_512 = arith.mulf %parallel_loop3A_509, %parallel_loop3A_511 : vector<16xf32>
        %parallel_loop3A_513 = arith.constant 3 : i32
        %parallel_loop3A_514 = arith.index_cast %parallel_loop3A_513 : i32 to index
        %parallel_loop3A_515 = arith.index_cast %parallel_loop3A_407 : i32 to index
        %parallel_loop3A_516 = arith.constant 96 : index
        %parallel_loop3A_517 = tpu.vector_load %arg6[%parallel_loop3A_514, %parallel_loop3A_515, %parallel_loop3A_516] {strides = array<i32>} : memref<5x128x128xf32, #tpu.memory_space<vmem>>, vector<1x1x16xf32>,
        %parallel_loop3A_518 = vector.shape_cast %parallel_loop3A_517 : vector<1x1x16xf32> to vector<16xf32>
        %parallel_loop3A_519 = vector.shape_cast %parallel_loop3A_512 : vector<16xf32> to vector<1x1x16xf32>
        tpu.vector_store %arg6[%parallel_loop3A_514, %parallel_loop3A_515, %parallel_loop3A_516], %parallel_loop3A_519 {strides = array<i32>} : memref<5x128x128xf32, #tpu.memory_space<vmem>>, vector<1x1x16xf32>,
        %parallel_loop3A_520 = arith.constant 3 : i32
        %parallel_loop3A_521 = arith.index_cast %parallel_loop3A_520 : i32 to index
        %parallel_loop3A_522 = arith.index_cast %parallel_loop3A_407 : i32 to index
        %parallel_loop3A_523 = arith.constant 112 : index
        %parallel_loop3A_524 = tpu.vector_load %arg6[%parallel_loop3A_521, %parallel_loop3A_522, %parallel_loop3A_523] {strides = array<i32>} : memref<5x128x128xf32, #tpu.memory_space<vmem>>, vector<1x1x16xf32>,
        %parallel_loop3A_525 = vector.shape_cast %parallel_loop3A_524 : vector<1x1x16xf32> to vector<16xf32>
        %parallel_loop3A_526 = arith.constant 11.3137083 : f32
        %parallel_loop3A_527 = vector.broadcast %parallel_loop3A_526 : f32 to vector<16xf32>
        %parallel_loop3A_528 = arith.mulf %parallel_loop3A_525, %parallel_loop3A_527 : vector<16xf32>
        %parallel_loop3A_529 = arith.constant 3 : i32
        %parallel_loop3A_530 = arith.index_cast %parallel_loop3A_529 : i32 to index
        %parallel_loop3A_531 = arith.index_cast %parallel_loop3A_407 : i32 to index
        %parallel_loop3A_532 = arith.constant 112 : index
        %parallel_loop3A_533 = tpu.vector_load %arg6[%parallel_loop3A_530, %parallel_loop3A_531, %parallel_loop3A_532] {strides = array<i32>} : memref<5x128x128xf32, #tpu.memory_space<vmem>>, vector<1x1x16xf32>,
        %parallel_loop3A_534 = vector.shape_cast %parallel_loop3A_533 : vector<1x1x16xf32> to vector<16xf32>
        %parallel_loop3A_535 = vector.shape_cast %parallel_loop3A_528 : vector<16xf32> to vector<1x1x16xf32>
        tpu.vector_store %arg6[%parallel_loop3A_530, %parallel_loop3A_531, %parallel_loop3A_532], %parallel_loop3A_535 {strides = array<i32>} : memref<5x128x128xf32, #tpu.memory_space<vmem>>, vector<1x1x16xf32>,
      } {sc.loop_unroll_factor = 4 : i64, sc.parallel_access}
      %mul3A_337 = arith.constant 32 : i32
      %mul3A_338 = arith.muli %add3A_310, %mul3A_337 : i32
      %add3A_339 = arith.addi %mul3A_338, %add3A : i32
      %mul3A_340 = arith.constant 128 : i32
      %mul3A_341 = arith.muli %add3A_339, %mul3A_340 : i32
      %dma_start3A_342 = arith.constant 3 : i32
      %dma_start3A_343 = arith.constant 3 : i32
      %dma_start3A_344 = arith.constant 0 : i32
      %dma_start3A_345 = arith.constant 0 : i32
      %dma_start3A_346 = tpu.memref_slice %arg6[%dma_start3A_342, %dma_start3A_344, %dma_start3A_345] : memref<5x128x128xf32, #tpu.memory_space<vmem>> -> memref<1x128x128xf32, #tpu.memory_space<vmem>>
      %dma_start3A_347 = tpu.memref_squeeze %dma_start3A_346 : memref<1x128x128xf32, #tpu.memory_space<vmem>> -> memref<128x128xf32, #tpu.memory_space<vmem>>
      %dma_start3A_348 = arith.constant 0 : i32
      %dma_start3A_349 = tpu.memref_slice %arg4[%mul3A_341, %dma_start3A_348] : memref<204800x128xf32, #tpu.memory_space<hbm>> -> memref<128x128xf32, #tpu.memory_space<hbm>>
      %dma_start3A_350 = tpu.memref_slice %arg8[%dma_start3A_343] : memref<5x!tpu.dma_semaphore, #tpu.memory_space<semaphore_mem>> -> memref<1x!tpu.dma_semaphore, #tpu.memory_space<semaphore_mem>>
      %dma_start3A_351 = tpu.memref_squeeze %dma_start3A_350 : memref<1x!tpu.dma_semaphore, #tpu.memory_space<semaphore_mem>> -> memref<!tpu.dma_semaphore, #tpu.memory_space<semaphore_mem>>
      %dma_start3A_352 = arith.constant 0 : i32
      %dma_start3A_353 = tpu.memref_slice %arg4[%mul3A_341, %dma_start3A_352] : memref<204800x128xf32, #tpu.memory_space<hbm>> -> memref<128x128xf32, #tpu.memory_space<hbm>>
      %dma_start3A_354 = arith.constant 0 : i32
      %dma_start3A_355 = arith.constant 0 : i32
      %dma_start3A_356 = tpu.memref_slice %arg6[%dma_start3A_342, %dma_start3A_354, %dma_start3A_355] : memref<5x128x128xf32, #tpu.memory_space<vmem>> -> memref<1x128x128xf32, #tpu.memory_space<vmem>>
      %dma_start3A_357 = tpu.memref_squeeze %dma_start3A_356 : memref<1x128x128xf32, #tpu.memory_space<vmem>> -> memref<128x128xf32, #tpu.memory_space<vmem>>
      tpu.enqueue_dma source(%dma_start3A_357 : memref<128x128xf32, #tpu.memory_space<vmem>>) target(%dma_start3A_353 : memref<128x128xf32, #tpu.memory_space<hbm>>) target_semaphore(%dma_start3A_351 : memref<!tpu.dma_semaphore, #tpu.memory_space<semaphore_mem>>)
      %add3A_358 = arith.constant 4 : i32
      %add3A_359 = arith.addi %mul3A_166, %add3A_358 : i32
      %add3A_360 = arith.constant 5 : i32
      %add3A_361 = arith.addi %add3A_359, %add3A_360 : i32
      %sub3A_362 = arith.constant 1 : i32
      %sub3A_363 = arith.subi %add3A_361, %sub3A_362 : i32
      %lt3A_364 = arith.constant 50 : i32
      %lt3A_365 = arith.cmpi slt, %sub3A_363, %lt3A_364 : i32
      %convert_element_type3A_366 = arith.extui %lt3A_365 : i1 to i32
      %cond3A_367 = arith.constant 0 : i32
      %cond3A_368 = arith.cmpi ne, %convert_element_type3A_366, %cond3A_367 : i32
      scf.if %cond3A_368 {
        %ge3A = arith.constant 5 : i32
        %ge3A_407 = arith.cmpi sge, %sub3A_363, %ge3A : i32
        %convert_element_type3A_408 = arith.extui %ge3A_407 : i1 to i32
        %cond3A_409 = arith.constant 0 : i32
        %cond3A_410 = arith.cmpi ne, %convert_element_type3A_408, %cond3A_409 : i32
        scf.if %cond3A_410 {
          %sub3A_425 = arith.constant 5 : i32
          %sub3A_426 = arith.subi %sub3A_363, %sub3A_425 : i32
          %mul3A_427 = arith.constant 32 : i32
          %mul3A_428 = arith.muli %sub3A_426, %mul3A_427 : i32
          %add3A_429 = arith.addi %mul3A_428, %add3A : i32
          %mul3A_430 = arith.constant 128 : i32
          %mul3A_431 = arith.muli %add3A_429, %mul3A_430 : i32
          %dma_wait3A_432 = arith.constant 3 : i32
          %dma_wait3A_433 = arith.constant 3 : i32
          %dma_wait3A_434 = arith.constant 0 : i32
          %dma_wait3A_435 = arith.constant 0 : i32
          %dma_wait3A_436 = tpu.memref_slice %arg6[%dma_wait3A_432, %dma_wait3A_434, %dma_wait3A_435] : memref<5x128x128xf32, #tpu.memory_space<vmem>> -> memref<1x128x128xf32, #tpu.memory_space<vmem>>
          %dma_wait3A_437 = tpu.memref_squeeze %dma_wait3A_436 : memref<1x128x128xf32, #tpu.memory_space<vmem>> -> memref<128x128xf32, #tpu.memory_space<vmem>>
          %dma_wait3A_438 = arith.constant 0 : i32
          %dma_wait3A_439 = tpu.memref_slice %arg4[%mul3A_431, %dma_wait3A_438] : memref<204800x128xf32, #tpu.memory_space<hbm>> -> memref<128x128xf32, #tpu.memory_space<hbm>>
          %dma_wait3A_440 = tpu.memref_slice %arg8[%dma_wait3A_433] : memref<5x!tpu.dma_semaphore, #tpu.memory_space<semaphore_mem>> -> memref<1x!tpu.dma_semaphore, #tpu.memory_space<semaphore_mem>>
          %dma_wait3A_441 = tpu.memref_squeeze %dma_wait3A_440 : memref<1x!tpu.dma_semaphore, #tpu.memory_space<semaphore_mem>> -> memref<!tpu.dma_semaphore, #tpu.memory_space<semaphore_mem>>
          %dma_wait3A_442 = arith.constant 0 : i32
          %dma_wait3A_443 = tpu.memref_slice %arg4[%mul3A_431, %dma_wait3A_442] : memref<204800x128xf32, #tpu.memory_space<hbm>> -> memref<128x128xf32, #tpu.memory_space<hbm>>
          %dma_wait3A_444 = arith.constant 0 : i32
          %dma_wait3A_445 = arith.constant 0 : i32
          %dma_wait3A_446 = tpu.memref_slice %arg6[%dma_wait3A_432, %dma_wait3A_444, %dma_wait3A_445] : memref<5x128x128xf32, #tpu.memory_space<vmem>> -> memref<1x128x128xf32, #tpu.memory_space<vmem>>
          %dma_wait3A_447 = tpu.memref_squeeze %dma_wait3A_446 : memref<1x128x128xf32, #tpu.memory_space<vmem>> -> memref<128x128xf32, #tpu.memory_space<vmem>>
          tpu.wait_dma2 semaphore(%dma_wait3A_441 : memref<!tpu.dma_semaphore, #tpu.memory_space<semaphore_mem>>) src(%dma_wait3A_447 : memref<128x128xf32, #tpu.memory_space<vmem>>) dst(%dma_wait3A_443 : memref<128x128xf32, #tpu.memory_space<hbm>>)
        } else {
        }
        %dma_start3A_411 = arith.constant 3 : i32
        %dma_start3A_412 = arith.constant 3 : i32
        %dma_start3A_413 = arith.constant 0 : i32
        %dma_start3A_414 = arith.constant 0 : i32
        %dma_start3A_415 = tpu.memref_slice %arg6[%dma_start3A_411, %dma_start3A_413, %dma_start3A_414] : memref<5x128x128xf32, #tpu.memory_space<vmem>> -> memref<1x128x128xf32, #tpu.memory_space<vmem>>
        %dma_start3A_416 = tpu.memref_squeeze %dma_start3A_415 : memref<1x128x128xf32, #tpu.memory_space<vmem>> -> memref<128x128xf32, #tpu.memory_space<vmem>>
        %dma_start3A_417 = arith.constant 0 : i32
        %dma_start3A_418 = tpu.memref_slice %arg5[%sub3A_363, %dma_start3A_417] : memref<50x128xi32, #tpu.memory_space<vmem>> -> memref<1x128xi32, #tpu.memory_space<vmem>>
        %dma_start3A_419 = tpu.memref_squeeze %dma_start3A_418 : memref<1x128xi32, #tpu.memory_space<vmem>> -> memref<128xi32, #tpu.memory_space<vmem>>
        %dma_start3A_420 = arith.constant 0 : i32
        %dma_start3A_421 = arith.constant 0 : i32
        %dma_start3A_422 = tpu.memref_slice %arg3[%dma_start3A_420, %dma_start3A_421] : memref<100000x128xf32, #tpu.memory_space<hbm>> -> memref<100000x128xf32, #tpu.memory_space<hbm>>
        %dma_start3A_423 = tpu.memref_slice %arg7[%dma_start3A_412] : memref<5x!tpu.dma_semaphore, #tpu.memory_space<semaphore_mem>> -> memref<1x!tpu.dma_semaphore, #tpu.memory_space<semaphore_mem>>
        %dma_start3A_424 = tpu.memref_squeeze %dma_start3A_423 : memref<1x!tpu.dma_semaphore, #tpu.memory_space<semaphore_mem>> -> memref<!tpu.dma_semaphore, #tpu.memory_space<semaphore_mem>>
        tpu.enqueue_indirect_dma source(%dma_start3A_422 : memref<100000x128xf32, #tpu.memory_space<hbm>>) target(%dma_start3A_416 : memref<128x128xf32, #tpu.memory_space<vmem>>) offsets(%dma_start3A_419 : memref<128xi32, #tpu.memory_space<vmem>>) semaphore(%dma_start3A_424 : memref<!tpu.dma_semaphore, #tpu.memory_space<semaphore_mem>>)
      } else {
      }
      %dma_wait3A_369 = arith.constant 4 : i32
      %dma_wait3A_370 = arith.constant 4 : i32
      %dma_wait3A_371 = arith.constant 0 : i32
      %dma_wait3A_372 = arith.constant 0 : i32
      %dma_wait3A_373 = tpu.memref_slice %arg6[%dma_wait3A_369, %dma_wait3A_371, %dma_wait3A_372] : memref<5x128x128xf32, #tpu.memory_space<vmem>> -> memref<1x128x128xf32, #tpu.memory_space<vmem>>
      %dma_wait3A_374 = tpu.memref_squeeze %dma_wait3A_373 : memref<1x128x128xf32, #tpu.memory_space<vmem>> -> memref<128x128xf32, #tpu.memory_space<vmem>>
      %dma_wait3A_375 = arith.constant 0 : i32
      %dma_wait3A_376 = tpu.memref_slice %arg5[%add3A_359, %dma_wait3A_375] : memref<50x128xi32, #tpu.memory_space<vmem>> -> memref<1x128xi32, #tpu.memory_space<vmem>>
      %dma_wait3A_377 = tpu.memref_squeeze %dma_wait3A_376 : memref<1x128xi32, #tpu.memory_space<vmem>> -> memref<128xi32, #tpu.memory_space<vmem>>
      %dma_wait3A_378 = arith.constant 0 : i32
      %dma_wait3A_379 = arith.constant 0 : i32
      %dma_wait3A_380 = tpu.memref_slice %arg3[%dma_wait3A_378, %dma_wait3A_379] : memref<100000x128xf32, #tpu.memory_space<hbm>> -> memref<100000x128xf32, #tpu.memory_space<hbm>>
      %dma_wait3A_381 = tpu.memref_slice %arg7[%dma_wait3A_370] : memref<5x!tpu.dma_semaphore, #tpu.memory_space<semaphore_mem>> -> memref<1x!tpu.dma_semaphore, #tpu.memory_space<semaphore_mem>>
      %dma_wait3A_382 = tpu.memref_squeeze %dma_wait3A_381 : memref<1x!tpu.dma_semaphore, #tpu.memory_space<semaphore_mem>> -> memref<!tpu.dma_semaphore, #tpu.memory_space<semaphore_mem>>
      tpu.wait_indirect_dma semaphore(%dma_wait3A_382 : memref<!tpu.dma_semaphore, #tpu.memory_space<semaphore_mem>>) src(%dma_wait3A_380 : memref<100000x128xf32, #tpu.memory_space<hbm>>) dst(%dma_wait3A_374 : memref<128x128xf32, #tpu.memory_space<vmem>>)
      %parallel_loop3A_383 = arith.constant 0 : i32
      %parallel_loop3A_384 = arith.constant 128 : i32
      %parallel_loop3A_385 = arith.constant 1 : i32
      scf.for %parallel_loop3A_407 = %parallel_loop3A_383 to %parallel_loop3A_384 step %parallel_loop3A_385  : i32 {
        %parallel_loop3A_408 = arith.constant 4 : i32
        %parallel_loop3A_409 = arith.index_cast %parallel_loop3A_408 : i32 to index
        %parallel_loop3A_410 = arith.index_cast %parallel_loop3A_407 : i32 to index
        %parallel_loop3A_411 = arith.constant 0 : index
        %parallel_loop3A_412 = tpu.vector_load %arg6[%parallel_loop3A_409, %parallel_loop3A_410, %parallel_loop3A_411] {strides = array<i32>} : memref<5x128x128xf32, #tpu.memory_space<vmem>>, vector<1x1x16xf32>,
        %parallel_loop3A_413 = vector.shape_cast %parallel_loop3A_412 : vector<1x1x16xf32> to vector<16xf32>
        %parallel_loop3A_414 = arith.constant 11.3137083 : f32
        %parallel_loop3A_415 = vector.broadcast %parallel_loop3A_414 : f32 to vector<16xf32>
        %parallel_loop3A_416 = arith.mulf %parallel_loop3A_413, %parallel_loop3A_415 : vector<16xf32>
        %parallel_loop3A_417 = arith.constant 4 : i32
        %parallel_loop3A_418 = arith.index_cast %parallel_loop3A_417 : i32 to index
        %parallel_loop3A_419 = arith.index_cast %parallel_loop3A_407 : i32 to index
        %parallel_loop3A_420 = arith.constant 0 : index
        %parallel_loop3A_421 = tpu.vector_load %arg6[%parallel_loop3A_418, %parallel_loop3A_419, %parallel_loop3A_420] {strides = array<i32>} : memref<5x128x128xf32, #tpu.memory_space<vmem>>, vector<1x1x16xf32>,
        %parallel_loop3A_422 = vector.shape_cast %parallel_loop3A_421 : vector<1x1x16xf32> to vector<16xf32>
        %parallel_loop3A_423 = vector.shape_cast %parallel_loop3A_416 : vector<16xf32> to vector<1x1x16xf32>
        tpu.vector_store %arg6[%parallel_loop3A_418, %parallel_loop3A_419, %parallel_loop3A_420], %parallel_loop3A_423 {strides = array<i32>} : memref<5x128x128xf32, #tpu.memory_space<vmem>>, vector<1x1x16xf32>,
        %parallel_loop3A_424 = arith.constant 4 : i32
        %parallel_loop3A_425 = arith.index_cast %parallel_loop3A_424 : i32 to index
        %parallel_loop3A_426 = arith.index_cast %parallel_loop3A_407 : i32 to index
        %parallel_loop3A_427 = arith.constant 16 : index
        %parallel_loop3A_428 = tpu.vector_load %arg6[%parallel_loop3A_425, %parallel_loop3A_426, %parallel_loop3A_427] {strides = array<i32>} : memref<5x128x128xf32, #tpu.memory_space<vmem>>, vector<1x1x16xf32>,
        %parallel_loop3A_429 = vector.shape_cast %parallel_loop3A_428 : vector<1x1x16xf32> to vector<16xf32>
        %parallel_loop3A_430 = arith.constant 11.3137083 : f32
        %parallel_loop3A_431 = vector.broadcast %parallel_loop3A_430 : f32 to vector<16xf32>
        %parallel_loop3A_432 = arith.mulf %parallel_loop3A_429, %parallel_loop3A_431 : vector<16xf32>
        %parallel_loop3A_433 = arith.constant 4 : i32
        %parallel_loop3A_434 = arith.index_cast %parallel_loop3A_433 : i32 to index
        %parallel_loop3A_435 = arith.index_cast %parallel_loop3A_407 : i32 to index
        %parallel_loop3A_436 = arith.constant 16 : index
        %parallel_loop3A_437 = tpu.vector_load %arg6[%parallel_loop3A_434, %parallel_loop3A_435, %parallel_loop3A_436] {strides = array<i32>} : memref<5x128x128xf32, #tpu.memory_space<vmem>>, vector<1x1x16xf32>,
        %parallel_loop3A_438 = vector.shape_cast %parallel_loop3A_437 : vector<1x1x16xf32> to vector<16xf32>
        %parallel_loop3A_439 = vector.shape_cast %parallel_loop3A_432 : vector<16xf32> to vector<1x1x16xf32>
        tpu.vector_store %arg6[%parallel_loop3A_434, %parallel_loop3A_435, %parallel_loop3A_436], %parallel_loop3A_439 {strides = array<i32>} : memref<5x128x128xf32, #tpu.memory_space<vmem>>, vector<1x1x16xf32>,
        %parallel_loop3A_440 = arith.constant 4 : i32
        %parallel_loop3A_441 = arith.index_cast %parallel_loop3A_440 : i32 to index
        %parallel_loop3A_442 = arith.index_cast %parallel_loop3A_407 : i32 to index
        %parallel_loop3A_443 = arith.constant 32 : index
        %parallel_loop3A_444 = tpu.vector_load %arg6[%parallel_loop3A_441, %parallel_loop3A_442, %parallel_loop3A_443] {strides = array<i32>} : memref<5x128x128xf32, #tpu.memory_space<vmem>>, vector<1x1x16xf32>,
        %parallel_loop3A_445 = vector.shape_cast %parallel_loop3A_444 : vector<1x1x16xf32> to vector<16xf32>
        %parallel_loop3A_446 = arith.constant 11.3137083 : f32
        %parallel_loop3A_447 = vector.broadcast %parallel_loop3A_446 : f32 to vector<16xf32>
        %parallel_loop3A_448 = arith.mulf %parallel_loop3A_445, %parallel_loop3A_447 : vector<16xf32>
        %parallel_loop3A_449 = arith.constant 4 : i32
        %parallel_loop3A_450 = arith.index_cast %parallel_loop3A_449 : i32 to index
        %parallel_loop3A_451 = arith.index_cast %parallel_loop3A_407 : i32 to index
        %parallel_loop3A_452 = arith.constant 32 : index
        %parallel_loop3A_453 = tpu.vector_load %arg6[%parallel_loop3A_450, %parallel_loop3A_451, %parallel_loop3A_452] {strides = array<i32>} : memref<5x128x128xf32, #tpu.memory_space<vmem>>, vector<1x1x16xf32>,
        %parallel_loop3A_454 = vector.shape_cast %parallel_loop3A_453 : vector<1x1x16xf32> to vector<16xf32>
        %parallel_loop3A_455 = vector.shape_cast %parallel_loop3A_448 : vector<16xf32> to vector<1x1x16xf32>
        tpu.vector_store %arg6[%parallel_loop3A_450, %parallel_loop3A_451, %parallel_loop3A_452], %parallel_loop3A_455 {strides = array<i32>} : memref<5x128x128xf32, #tpu.memory_space<vmem>>, vector<1x1x16xf32>,
        %parallel_loop3A_456 = arith.constant 4 : i32
        %parallel_loop3A_457 = arith.index_cast %parallel_loop3A_456 : i32 to index
        %parallel_loop3A_458 = arith.index_cast %parallel_loop3A_407 : i32 to index
        %parallel_loop3A_459 = arith.constant 48 : index
        %parallel_loop3A_460 = tpu.vector_load %arg6[%parallel_loop3A_457, %parallel_loop3A_458, %parallel_loop3A_459] {strides = array<i32>} : memref<5x128x128xf32, #tpu.memory_space<vmem>>, vector<1x1x16xf32>,
        %parallel_loop3A_461 = vector.shape_cast %parallel_loop3A_460 : vector<1x1x16xf32> to vector<16xf32>
        %parallel_loop3A_462 = arith.constant 11.3137083 : f32
        %parallel_loop3A_463 = vector.broadcast %parallel_loop3A_462 : f32 to vector<16xf32>
        %parallel_loop3A_464 = arith.mulf %parallel_loop3A_461, %parallel_loop3A_463 : vector<16xf32>
        %parallel_loop3A_465 = arith.constant 4 : i32
        %parallel_loop3A_466 = arith.index_cast %parallel_loop3A_465 : i32 to index
        %parallel_loop3A_467 = arith.index_cast %parallel_loop3A_407 : i32 to index
        %parallel_loop3A_468 = arith.constant 48 : index
        %parallel_loop3A_469 = tpu.vector_load %arg6[%parallel_loop3A_466, %parallel_loop3A_467, %parallel_loop3A_468] {strides = array<i32>} : memref<5x128x128xf32, #tpu.memory_space<vmem>>, vector<1x1x16xf32>,
        %parallel_loop3A_470 = vector.shape_cast %parallel_loop3A_469 : vector<1x1x16xf32> to vector<16xf32>
        %parallel_loop3A_471 = vector.shape_cast %parallel_loop3A_464 : vector<16xf32> to vector<1x1x16xf32>
        tpu.vector_store %arg6[%parallel_loop3A_466, %parallel_loop3A_467, %parallel_loop3A_468], %parallel_loop3A_471 {strides = array<i32>} : memref<5x128x128xf32, #tpu.memory_space<vmem>>, vector<1x1x16xf32>,
        %parallel_loop3A_472 = arith.constant 4 : i32
        %parallel_loop3A_473 = arith.index_cast %parallel_loop3A_472 : i32 to index
        %parallel_loop3A_474 = arith.index_cast %parallel_loop3A_407 : i32 to index
        %parallel_loop3A_475 = arith.constant 64 : index
        %parallel_loop3A_476 = tpu.vector_load %arg6[%parallel_loop3A_473, %parallel_loop3A_474, %parallel_loop3A_475] {strides = array<i32>} : memref<5x128x128xf32, #tpu.memory_space<vmem>>, vector<1x1x16xf32>,
        %parallel_loop3A_477 = vector.shape_cast %parallel_loop3A_476 : vector<1x1x16xf32> to vector<16xf32>
        %parallel_loop3A_478 = arith.constant 11.3137083 : f32
        %parallel_loop3A_479 = vector.broadcast %parallel_loop3A_478 : f32 to vector<16xf32>
        %parallel_loop3A_480 = arith.mulf %parallel_loop3A_477, %parallel_loop3A_479 : vector<16xf32>
        %parallel_loop3A_481 = arith.constant 4 : i32
        %parallel_loop3A_482 = arith.index_cast %parallel_loop3A_481 : i32 to index
        %parallel_loop3A_483 = arith.index_cast %parallel_loop3A_407 : i32 to index
        %parallel_loop3A_484 = arith.constant 64 : index
        %parallel_loop3A_485 = tpu.vector_load %arg6[%parallel_loop3A_482, %parallel_loop3A_483, %parallel_loop3A_484] {strides = array<i32>} : memref<5x128x128xf32, #tpu.memory_space<vmem>>, vector<1x1x16xf32>,
        %parallel_loop3A_486 = vector.shape_cast %parallel_loop3A_485 : vector<1x1x16xf32> to vector<16xf32>
        %parallel_loop3A_487 = vector.shape_cast %parallel_loop3A_480 : vector<16xf32> to vector<1x1x16xf32>
        tpu.vector_store %arg6[%parallel_loop3A_482, %parallel_loop3A_483, %parallel_loop3A_484], %parallel_loop3A_487 {strides = array<i32>} : memref<5x128x128xf32, #tpu.memory_space<vmem>>, vector<1x1x16xf32>,
        %parallel_loop3A_488 = arith.constant 4 : i32
        %parallel_loop3A_489 = arith.index_cast %parallel_loop3A_488 : i32 to index
        %parallel_loop3A_490 = arith.index_cast %parallel_loop3A_407 : i32 to index
        %parallel_loop3A_491 = arith.constant 80 : index
        %parallel_loop3A_492 = tpu.vector_load %arg6[%parallel_loop3A_489, %parallel_loop3A_490, %parallel_loop3A_491] {strides = array<i32>} : memref<5x128x128xf32, #tpu.memory_space<vmem>>, vector<1x1x16xf32>,
        %parallel_loop3A_493 = vector.shape_cast %parallel_loop3A_492 : vector<1x1x16xf32> to vector<16xf32>
        %parallel_loop3A_494 = arith.constant 11.3137083 : f32
        %parallel_loop3A_495 = vector.broadcast %parallel_loop3A_494 : f32 to vector<16xf32>
        %parallel_loop3A_496 = arith.mulf %parallel_loop3A_493, %parallel_loop3A_495 : vector<16xf32>
        %parallel_loop3A_497 = arith.constant 4 : i32
        %parallel_loop3A_498 = arith.index_cast %parallel_loop3A_497 : i32 to index
        %parallel_loop3A_499 = arith.index_cast %parallel_loop3A_407 : i32 to index
        %parallel_loop3A_500 = arith.constant 80 : index
        %parallel_loop3A_501 = tpu.vector_load %arg6[%parallel_loop3A_498, %parallel_loop3A_499, %parallel_loop3A_500] {strides = array<i32>} : memref<5x128x128xf32, #tpu.memory_space<vmem>>, vector<1x1x16xf32>,
        %parallel_loop3A_502 = vector.shape_cast %parallel_loop3A_501 : vector<1x1x16xf32> to vector<16xf32>
        %parallel_loop3A_503 = vector.shape_cast %parallel_loop3A_496 : vector<16xf32> to vector<1x1x16xf32>
        tpu.vector_store %arg6[%parallel_loop3A_498, %parallel_loop3A_499, %parallel_loop3A_500], %parallel_loop3A_503 {strides = array<i32>} : memref<5x128x128xf32, #tpu.memory_space<vmem>>, vector<1x1x16xf32>,
        %parallel_loop3A_504 = arith.constant 4 : i32
        %parallel_loop3A_505 = arith.index_cast %parallel_loop3A_504 : i32 to index
        %parallel_loop3A_506 = arith.index_cast %parallel_loop3A_407 : i32 to index
        %parallel_loop3A_507 = arith.constant 96 : index
        %parallel_loop3A_508 = tpu.vector_load %arg6[%parallel_loop3A_505, %parallel_loop3A_506, %parallel_loop3A_507] {strides = array<i32>} : memref<5x128x128xf32, #tpu.memory_space<vmem>>, vector<1x1x16xf32>,
        %parallel_loop3A_509 = vector.shape_cast %parallel_loop3A_508 : vector<1x1x16xf32> to vector<16xf32>
        %parallel_loop3A_510 = arith.constant 11.3137083 : f32
        %parallel_loop3A_511 = vector.broadcast %parallel_loop3A_510 : f32 to vector<16xf32>
        %parallel_loop3A_512 = arith.mulf %parallel_loop3A_509, %parallel_loop3A_511 : vector<16xf32>
        %parallel_loop3A_513 = arith.constant 4 : i32
        %parallel_loop3A_514 = arith.index_cast %parallel_loop3A_513 : i32 to index
        %parallel_loop3A_515 = arith.index_cast %parallel_loop3A_407 : i32 to index
        %parallel_loop3A_516 = arith.constant 96 : index
        %parallel_loop3A_517 = tpu.vector_load %arg6[%parallel_loop3A_514, %parallel_loop3A_515, %parallel_loop3A_516] {strides = array<i32>} : memref<5x128x128xf32, #tpu.memory_space<vmem>>, vector<1x1x16xf32>,
        %parallel_loop3A_518 = vector.shape_cast %parallel_loop3A_517 : vector<1x1x16xf32> to vector<16xf32>
        %parallel_loop3A_519 = vector.shape_cast %parallel_loop3A_512 : vector<16xf32> to vector<1x1x16xf32>
        tpu.vector_store %arg6[%parallel_loop3A_514, %parallel_loop3A_515, %parallel_loop3A_516], %parallel_loop3A_519 {strides = array<i32>} : memref<5x128x128xf32, #tpu.memory_space<vmem>>, vector<1x1x16xf32>,
        %parallel_loop3A_520 = arith.constant 4 : i32
        %parallel_loop3A_521 = arith.index_cast %parallel_loop3A_520 : i32 to index
        %parallel_loop3A_522 = arith.index_cast %parallel_loop3A_407 : i32 to index
        %parallel_loop3A_523 = arith.constant 112 : index
        %parallel_loop3A_524 = tpu.vector_load %arg6[%parallel_loop3A_521, %parallel_loop3A_522, %parallel_loop3A_523] {strides = array<i32>} : memref<5x128x128xf32, #tpu.memory_space<vmem>>, vector<1x1x16xf32>,
        %parallel_loop3A_525 = vector.shape_cast %parallel_loop3A_524 : vector<1x1x16xf32> to vector<16xf32>
        %parallel_loop3A_526 = arith.constant 11.3137083 : f32
        %parallel_loop3A_527 = vector.broadcast %parallel_loop3A_526 : f32 to vector<16xf32>
        %parallel_loop3A_528 = arith.mulf %parallel_loop3A_525, %parallel_loop3A_527 : vector<16xf32>
        %parallel_loop3A_529 = arith.constant 4 : i32
        %parallel_loop3A_530 = arith.index_cast %parallel_loop3A_529 : i32 to index
        %parallel_loop3A_531 = arith.index_cast %parallel_loop3A_407 : i32 to index
        %parallel_loop3A_532 = arith.constant 112 : index
        %parallel_loop3A_533 = tpu.vector_load %arg6[%parallel_loop3A_530, %parallel_loop3A_531, %parallel_loop3A_532] {strides = array<i32>} : memref<5x128x128xf32, #tpu.memory_space<vmem>>, vector<1x1x16xf32>,
        %parallel_loop3A_534 = vector.shape_cast %parallel_loop3A_533 : vector<1x1x16xf32> to vector<16xf32>
        %parallel_loop3A_535 = vector.shape_cast %parallel_loop3A_528 : vector<16xf32> to vector<1x1x16xf32>
        tpu.vector_store %arg6[%parallel_loop3A_530, %parallel_loop3A_531, %parallel_loop3A_532], %parallel_loop3A_535 {strides = array<i32>} : memref<5x128x128xf32, #tpu.memory_space<vmem>>, vector<1x1x16xf32>,
      } {sc.loop_unroll_factor = 4 : i64, sc.parallel_access}
      %mul3A_386 = arith.constant 32 : i32
      %mul3A_387 = arith.muli %add3A_359, %mul3A_386 : i32
      %add3A_388 = arith.addi %mul3A_387, %add3A : i32
      %mul3A_389 = arith.constant 128 : i32
      %mul3A_390 = arith.muli %add3A_388, %mul3A_389 : i32
      %dma_start3A_391 = arith.constant 4 : i32
      %dma_start3A_392 = arith.constant 4 : i32
      %dma_start3A_393 = arith.constant 0 : i32
      %dma_start3A_394 = arith.constant 0 : i32
      %dma_start3A_395 = tpu.memref_slice %arg6[%dma_start3A_391, %dma_start3A_393, %dma_start3A_394] : memref<5x128x128xf32, #tpu.memory_space<vmem>> -> memref<1x128x128xf32, #tpu.memory_space<vmem>>
      %dma_start3A_396 = tpu.memref_squeeze %dma_start3A_395 : memref<1x128x128xf32, #tpu.memory_space<vmem>> -> memref<128x128xf32, #tpu.memory_space<vmem>>
      %dma_start3A_397 = arith.constant 0 : i32
      %dma_start3A_398 = tpu.memref_slice %arg4[%mul3A_390, %dma_start3A_397] : memref<204800x128xf32, #tpu.memory_space<hbm>> -> memref<128x128xf32, #tpu.memory_space<hbm>>
      %dma_start3A_399 = tpu.memref_slice %arg8[%dma_start3A_392] : memref<5x!tpu.dma_semaphore, #tpu.memory_space<semaphore_mem>> -> memref<1x!tpu.dma_semaphore, #tpu.memory_space<semaphore_mem>>
      %dma_start3A_400 = tpu.memref_squeeze %dma_start3A_399 : memref<1x!tpu.dma_semaphore, #tpu.memory_space<semaphore_mem>> -> memref<!tpu.dma_semaphore, #tpu.memory_space<semaphore_mem>>
      %dma_start3A_401 = arith.constant 0 : i32
      %dma_start3A_402 = tpu.memref_slice %arg4[%mul3A_390, %dma_start3A_401] : memref<204800x128xf32, #tpu.memory_space<hbm>> -> memref<128x128xf32, #tpu.memory_space<hbm>>
      %dma_start3A_403 = arith.constant 0 : i32
      %dma_start3A_404 = arith.constant 0 : i32
      %dma_start3A_405 = tpu.memref_slice %arg6[%dma_start3A_391, %dma_start3A_403, %dma_start3A_404] : memref<5x128x128xf32, #tpu.memory_space<vmem>> -> memref<1x128x128xf32, #tpu.memory_space<vmem>>
      %dma_start3A_406 = tpu.memref_squeeze %dma_start3A_405 : memref<1x128x128xf32, #tpu.memory_space<vmem>> -> memref<128x128xf32, #tpu.memory_space<vmem>>
      tpu.enqueue_dma source(%dma_start3A_406 : memref<128x128xf32, #tpu.memory_space<vmem>>) target(%dma_start3A_402 : memref<128x128xf32, #tpu.memory_space<hbm>>) target_semaphore(%dma_start3A_400 : memref<!tpu.dma_semaphore, #tpu.memory_space<semaphore_mem>>)
    }
    %scan3A_64 = arith.constant 10 : i32
    %add3A_65 = arith.constant 1440 : i32
    %add3A_66 = arith.addi %add3A_65, %add3A : i32
    %mul3A_67 = arith.constant 128 : i32
    %mul3A_68 = arith.muli %add3A_66, %mul3A_67 : i32
    %dma_wait3A = arith.constant 0 : i32
    %dma_wait3A_69 = arith.constant 0 : i32
    %dma_wait3A_70 = arith.constant 0 : i32
    %dma_wait3A_71 = arith.constant 0 : i32
    %dma_wait3A_72 = tpu.memref_slice %arg6[%dma_wait3A, %dma_wait3A_70, %dma_wait3A_71] : memref<5x128x128xf32, #tpu.memory_space<vmem>> -> memref<1x128x128xf32, #tpu.memory_space<vmem>>
    %dma_wait3A_73 = tpu.memref_squeeze %dma_wait3A_72 : memref<1x128x128xf32, #tpu.memory_space<vmem>> -> memref<128x128xf32, #tpu.memory_space<vmem>>
    %dma_wait3A_74 = arith.constant 0 : i32
    %dma_wait3A_75 = tpu.memref_slice %arg4[%mul3A_68, %dma_wait3A_74] : memref<204800x128xf32, #tpu.memory_space<hbm>> -> memref<128x128xf32, #tpu.memory_space<hbm>>
    %dma_wait3A_76 = tpu.memref_slice %arg8[%dma_wait3A_69] : memref<5x!tpu.dma_semaphore, #tpu.memory_space<semaphore_mem>> -> memref<1x!tpu.dma_semaphore, #tpu.memory_space<semaphore_mem>>
    %dma_wait3A_77 = tpu.memref_squeeze %dma_wait3A_76 : memref<1x!tpu.dma_semaphore, #tpu.memory_space<semaphore_mem>> -> memref<!tpu.dma_semaphore, #tpu.memory_space<semaphore_mem>>
    %dma_wait3A_78 = arith.constant 0 : i32
    %dma_wait3A_79 = tpu.memref_slice %arg4[%mul3A_68, %dma_wait3A_78] : memref<204800x128xf32, #tpu.memory_space<hbm>> -> memref<128x128xf32, #tpu.memory_space<hbm>>
    %dma_wait3A_80 = arith.constant 0 : i32
    %dma_wait3A_81 = arith.constant 0 : i32
    %dma_wait3A_82 = tpu.memref_slice %arg6[%dma_wait3A, %dma_wait3A_80, %dma_wait3A_81] : memref<5x128x128xf32, #tpu.memory_space<vmem>> -> memref<1x128x128xf32, #tpu.memory_space<vmem>>
    %dma_wait3A_83 = tpu.memref_squeeze %dma_wait3A_82 : memref<1x128x128xf32, #tpu.memory_space<vmem>> -> memref<128x128xf32, #tpu.memory_space<vmem>>
    tpu.wait_dma2 semaphore(%dma_wait3A_77 : memref<!tpu.dma_semaphore, #tpu.memory_space<semaphore_mem>>) src(%dma_wait3A_83 : memref<128x128xf32, #tpu.memory_space<vmem>>) dst(%dma_wait3A_79 : memref<128x128xf32, #tpu.memory_space<hbm>>)
    %add3A_84 = arith.constant 1472 : i32
    %add3A_85 = arith.addi %add3A_84, %add3A : i32
    %mul3A_86 = arith.constant 128 : i32
    %mul3A_87 = arith.muli %add3A_85, %mul3A_86 : i32
    %dma_wait3A_88 = arith.constant 1 : i32
    %dma_wait3A_89 = arith.constant 1 : i32
    %dma_wait3A_90 = arith.constant 0 : i32
    %dma_wait3A_91 = arith.constant 0 : i32
    %dma_wait3A_92 = tpu.memref_slice %arg6[%dma_wait3A_88, %dma_wait3A_90, %dma_wait3A_91] : memref<5x128x128xf32, #tpu.memory_space<vmem>> -> memref<1x128x128xf32, #tpu.memory_space<vmem>>
    %dma_wait3A_93 = tpu.memref_squeeze %dma_wait3A_92 : memref<1x128x128xf32, #tpu.memory_space<vmem>> -> memref<128x128xf32, #tpu.memory_space<vmem>>
    %dma_wait3A_94 = arith.constant 0 : i32
    %dma_wait3A_95 = tpu.memref_slice %arg4[%mul3A_87, %dma_wait3A_94] : memref<204800x128xf32, #tpu.memory_space<hbm>> -> memref<128x128xf32, #tpu.memory_space<hbm>>
    %dma_wait3A_96 = tpu.memref_slice %arg8[%dma_wait3A_89] : memref<5x!tpu.dma_semaphore, #tpu.memory_space<semaphore_mem>> -> memref<1x!tpu.dma_semaphore, #tpu.memory_space<semaphore_mem>>
    %dma_wait3A_97 = tpu.memref_squeeze %dma_wait3A_96 : memref<1x!tpu.dma_semaphore, #tpu.memory_space<semaphore_mem>> -> memref<!tpu.dma_semaphore, #tpu.memory_space<semaphore_mem>>
    %dma_wait3A_98 = arith.constant 0 : i32
    %dma_wait3A_99 = tpu.memref_slice %arg4[%mul3A_87, %dma_wait3A_98] : memref<204800x128xf32, #tpu.memory_space<hbm>> -> memref<128x128xf32, #tpu.memory_space<hbm>>
    %dma_wait3A_100 = arith.constant 0 : i32
    %dma_wait3A_101 = arith.constant 0 : i32
    %dma_wait3A_102 = tpu.memref_slice %arg6[%dma_wait3A_88, %dma_wait3A_100, %dma_wait3A_101] : memref<5x128x128xf32, #tpu.memory_space<vmem>> -> memref<1x128x128xf32, #tpu.memory_space<vmem>>
    %dma_wait3A_103 = tpu.memref_squeeze %dma_wait3A_102 : memref<1x128x128xf32, #tpu.memory_space<vmem>> -> memref<128x128xf32, #tpu.memory_space<vmem>>
    tpu.wait_dma2 semaphore(%dma_wait3A_97 : memref<!tpu.dma_semaphore, #tpu.memory_space<semaphore_mem>>) src(%dma_wait3A_103 : memref<128x128xf32, #tpu.memory_space<vmem>>) dst(%dma_wait3A_99 : memref<128x128xf32, #tpu.memory_space<hbm>>)
    %add3A_104 = arith.constant 1504 : i32
    %add3A_105 = arith.addi %add3A_104, %add3A : i32
    %mul3A_106 = arith.constant 128 : i32
    %mul3A_107 = arith.muli %add3A_105, %mul3A_106 : i32
    %dma_wait3A_108 = arith.constant 2 : i32
    %dma_wait3A_109 = arith.constant 2 : i32
    %dma_wait3A_110 = arith.constant 0 : i32
    %dma_wait3A_111 = arith.constant 0 : i32
    %dma_wait3A_112 = tpu.memref_slice %arg6[%dma_wait3A_108, %dma_wait3A_110, %dma_wait3A_111] : memref<5x128x128xf32, #tpu.memory_space<vmem>> -> memref<1x128x128xf32, #tpu.memory_space<vmem>>
    %dma_wait3A_113 = tpu.memref_squeeze %dma_wait3A_112 : memref<1x128x128xf32, #tpu.memory_space<vmem>> -> memref<128x128xf32, #tpu.memory_space<vmem>>
    %dma_wait3A_114 = arith.constant 0 : i32
    %dma_wait3A_115 = tpu.memref_slice %arg4[%mul3A_107, %dma_wait3A_114] : memref<204800x128xf32, #tpu.memory_space<hbm>> -> memref<128x128xf32, #tpu.memory_space<hbm>>
    %dma_wait3A_116 = tpu.memref_slice %arg8[%dma_wait3A_109] : memref<5x!tpu.dma_semaphore, #tpu.memory_space<semaphore_mem>> -> memref<1x!tpu.dma_semaphore, #tpu.memory_space<semaphore_mem>>
    %dma_wait3A_117 = tpu.memref_squeeze %dma_wait3A_116 : memref<1x!tpu.dma_semaphore, #tpu.memory_space<semaphore_mem>> -> memref<!tpu.dma_semaphore, #tpu.memory_space<semaphore_mem>>
    %dma_wait3A_118 = arith.constant 0 : i32
    %dma_wait3A_119 = tpu.memref_slice %arg4[%mul3A_107, %dma_wait3A_118] : memref<204800x128xf32, #tpu.memory_space<hbm>> -> memref<128x128xf32, #tpu.memory_space<hbm>>
    %dma_wait3A_120 = arith.constant 0 : i32
    %dma_wait3A_121 = arith.constant 0 : i32
    %dma_wait3A_122 = tpu.memref_slice %arg6[%dma_wait3A_108, %dma_wait3A_120, %dma_wait3A_121] : memref<5x128x128xf32, #tpu.memory_space<vmem>> -> memref<1x128x128xf32, #tpu.memory_space<vmem>>
    %dma_wait3A_123 = tpu.memref_squeeze %dma_wait3A_122 : memref<1x128x128xf32, #tpu.memory_space<vmem>> -> memref<128x128xf32, #tpu.memory_space<vmem>>
    tpu.wait_dma2 semaphore(%dma_wait3A_117 : memref<!tpu.dma_semaphore, #tpu.memory_space<semaphore_mem>>) src(%dma_wait3A_123 : memref<128x128xf32, #tpu.memory_space<vmem>>) dst(%dma_wait3A_119 : memref<128x128xf32, #tpu.memory_space<hbm>>)
    %add3A_124 = arith.constant 1536 : i32
    %add3A_125 = arith.addi %add3A_124, %add3A : i32
    %mul3A_126 = arith.constant 128 : i32
    %mul3A_127 = arith.muli %add3A_125, %mul3A_126 : i32
    %dma_wait3A_128 = arith.constant 3 : i32
    %dma_wait3A_129 = arith.constant 3 : i32
    %dma_wait3A_130 = arith.constant 0 : i32
    %dma_wait3A_131 = arith.constant 0 : i32
    %dma_wait3A_132 = tpu.memref_slice %arg6[%dma_wait3A_128, %dma_wait3A_130, %dma_wait3A_131] : memref<5x128x128xf32, #tpu.memory_space<vmem>> -> memref<1x128x128xf32, #tpu.memory_space<vmem>>
    %dma_wait3A_133 = tpu.memref_squeeze %dma_wait3A_132 : memref<1x128x128xf32, #tpu.memory_space<vmem>> -> memref<128x128xf32, #tpu.memory_space<vmem>>
    %dma_wait3A_134 = arith.constant 0 : i32
    %dma_wait3A_135 = tpu.memref_slice %arg4[%mul3A_127, %dma_wait3A_134] : memref<204800x128xf32, #tpu.memory_space<hbm>> -> memref<128x128xf32, #tpu.memory_space<hbm>>
    %dma_wait3A_136 = tpu.memref_slice %arg8[%dma_wait3A_129] : memref<5x!tpu.dma_semaphore, #tpu.memory_space<semaphore_mem>> -> memref<1x!tpu.dma_semaphore, #tpu.memory_space<semaphore_mem>>
    %dma_wait3A_137 = tpu.memref_squeeze %dma_wait3A_136 : memref<1x!tpu.dma_semaphore, #tpu.memory_space<semaphore_mem>> -> memref<!tpu.dma_semaphore, #tpu.memory_space<semaphore_mem>>
    %dma_wait3A_138 = arith.constant 0 : i32
    %dma_wait3A_139 = tpu.memref_slice %arg4[%mul3A_127, %dma_wait3A_138] : memref<204800x128xf32, #tpu.memory_space<hbm>> -> memref<128x128xf32, #tpu.memory_space<hbm>>
    %dma_wait3A_140 = arith.constant 0 : i32
    %dma_wait3A_141 = arith.constant 0 : i32
    %dma_wait3A_142 = tpu.memref_slice %arg6[%dma_wait3A_128, %dma_wait3A_140, %dma_wait3A_141] : memref<5x128x128xf32, #tpu.memory_space<vmem>> -> memref<1x128x128xf32, #tpu.memory_space<vmem>>
    %dma_wait3A_143 = tpu.memref_squeeze %dma_wait3A_142 : memref<1x128x128xf32, #tpu.memory_space<vmem>> -> memref<128x128xf32, #tpu.memory_space<vmem>>
    tpu.wait_dma2 semaphore(%dma_wait3A_137 : memref<!tpu.dma_semaphore, #tpu.memory_space<semaphore_mem>>) src(%dma_wait3A_143 : memref<128x128xf32, #tpu.memory_space<vmem>>) dst(%dma_wait3A_139 : memref<128x128xf32, #tpu.memory_space<hbm>>)
    %add3A_144 = arith.constant 1568 : i32
    %add3A_145 = arith.addi %add3A_144, %add3A : i32
    %mul3A_146 = arith.constant 128 : i32
    %mul3A_147 = arith.muli %add3A_145, %mul3A_146 : i32
    %dma_wait3A_148 = arith.constant 4 : i32
    %dma_wait3A_149 = arith.constant 4 : i32
    %dma_wait3A_150 = arith.constant 0 : i32
    %dma_wait3A_151 = arith.constant 0 : i32
    %dma_wait3A_152 = tpu.memref_slice %arg6[%dma_wait3A_148, %dma_wait3A_150, %dma_wait3A_151] : memref<5x128x128xf32, #tpu.memory_space<vmem>> -> memref<1x128x128xf32, #tpu.memory_space<vmem>>
    %dma_wait3A_153 = tpu.memref_squeeze %dma_wait3A_152 : memref<1x128x128xf32, #tpu.memory_space<vmem>> -> memref<128x128xf32, #tpu.memory_space<vmem>>
    %dma_wait3A_154 = arith.constant 0 : i32
    %dma_wait3A_155 = tpu.memref_slice %arg4[%mul3A_147, %dma_wait3A_154] : memref<204800x128xf32, #tpu.memory_space<hbm>> -> memref<128x128xf32, #tpu.memory_space<hbm>>
    %dma_wait3A_156 = tpu.memref_slice %arg8[%dma_wait3A_149] : memref<5x!tpu.dma_semaphore, #tpu.memory_space<semaphore_mem>> -> memref<1x!tpu.dma_semaphore, #tpu.memory_space<semaphore_mem>>
    %dma_wait3A_157 = tpu.memref_squeeze %dma_wait3A_156 : memref<1x!tpu.dma_semaphore, #tpu.memory_space<semaphore_mem>> -> memref<!tpu.dma_semaphore, #tpu.memory_space<semaphore_mem>>
    %dma_wait3A_158 = arith.constant 0 : i32
    %dma_wait3A_159 = tpu.memref_slice %arg4[%mul3A_147, %dma_wait3A_158] : memref<204800x128xf32, #tpu.memory_space<hbm>> -> memref<128x128xf32, #tpu.memory_space<hbm>>
    %dma_wait3A_160 = arith.constant 0 : i32
    %dma_wait3A_161 = arith.constant 0 : i32
    %dma_wait3A_162 = tpu.memref_slice %arg6[%dma_wait3A_148, %dma_wait3A_160, %dma_wait3A_161] : memref<5x128x128xf32, #tpu.memory_space<vmem>> -> memref<1x128x128xf32, #tpu.memory_space<vmem>>
    %dma_wait3A_163 = tpu.memref_squeeze %dma_wait3A_162 : memref<1x128x128xf32, #tpu.memory_space<vmem>> -> memref<128x128xf32, #tpu.memory_space<vmem>>
    tpu.wait_dma2 semaphore(%dma_wait3A_157 : memref<!tpu.dma_semaphore, #tpu.memory_space<semaphore_mem>>) src(%dma_wait3A_163 : memref<128x128xf32, #tpu.memory_space<vmem>>) dst(%dma_wait3A_159 : memref<128x128xf32, #tpu.memory_space<hbm>>)
    return
  }
}

</mosaic_0001>

<sc_bundles>
// kernel: kernel.3.cloned.1.call-start
scs
__scs_entry_jumppad:
0x0: {  	(pc) =	sbr.rel $0x88, $3  }
0x1: {  	(tag) =	ssettag $0x0;
	lr =	simm.s32 $0x1  }
0x2: {  	[smem:$0x3F9F] =	sst lr;
	_ =	strace $0xD0000000  }
0x3: {  	_ = 	snop  }
0x4: {  	_ = 	snop  }
0x5: {  	_ = 	snop  }
0x6: {  	_ = 	snop  }
0x7: {  	_ = 	snop  }
__scs_overlays_trampoline_lowered:
0x8: {  	[smem:$0x3FAE] =	sst s0  }
0x9: {  	[smem:$0x3FAF] =	sst s1  }
0xa: {  	[smem:$0x3FB0] =	sst s2  }
0xb: {  	[smem:$0x3FB1] =	sst s3  }
0xc: {  	[smem:$0x3FB2] =	sst s4  }
0xd: {  	[smem:$0x3FB3] =	sst s5  }
0xe: {  	[smem:$0x3FB4] =	sst s6  }
0xf: {  	[smem:$0x3FB5] =	sst s7  }
0x10: {  	[smem:$0x3FB6] =	sst s8  }
0x11: {  	[smem:$0x3FB7] =	sst s9;
	s0 =	simm.s32 @!p0 $0x0  }
0x12: {  	s1 =	sld [smem:$0x3F9D];
	s0 =	simm.s32 @p0 $0x1  }
0x13: {  	[smem:$0x3FB8] =	sst s0;
	s0 =	simm.s32 @!p1 $0x0  }
0x14: {  	s2 =	sld [smem:$0x3F9C];
	s0 =	simm.s32 @p1 $0x1  }
0x15: {  	[smem:$0x3FB9] =	sst s0;
	s0 =	simm.s32 @!p2 $0x0  }
0x16: {  	s3 =	sld [smem:$0x3FDB];
	s0 =	simm.s32 @p2 $0x1  }
0x17: {  	s4 =	simm.s32 $0x1BF5;
	[smem:$0x3FBB] =	sst s0  }
0x18: {  	s0 =	sld [smem:$0x3F9E];
	_ =	swait.ge [sflag:s4], $0x0  }
0x19: {  	s7 =	sld [smem:$0x3F9F]  }
0x1a: {  	s8 =	sadd.s32 $0xFFFFE003, lr  }
0x1b: {  	s9 =	sadd.s32 $0xFFFFFEF7, lr;
	s5 =	simm.s32 $0xFFFFFFFF;
	p2 =	slt.u32 s8, $0xFFFFF086  }
0x1c: {  	p1 =	slt.u32 s9, $0xF7A;
	s5 =	simm.s32 @!p2 $0x0  }
0x1d: {  	s5 =	simm.s32 @p1 $0x1;
	p0 =	seq.s32 s7, s2  }
0x1e: {  	s7 =	smul.u32 @!p0 $0xF7A, s2;
	p2 =	seq.s32 @!p0 s5, $0x0  }
0x1f: {  	s9 =	smul.u32 $0xF7A, s1;
	s8 =	simm.s32 @!p0 $0x1BF5;
	p2 =	por !p2, p0  }
0x20: {  	[sflag:s8] =	ssyncset.s32 @!p0 $0xFFFFF086;
	s6 =	sadd.s32 @!p0 s3, s7;
	s7 =	simm.s32 @!p0 $0x108  }
0x21: {  	s3 =	sadd.s32 s3, s9;
	s6 =	sadd.s32 @!p0 $0x88, s6;
	s7 =	simm.s32 @p2 $0x1082  }
0x22: {  	[simem:s7], [sflag:s8] =	dma.local @!p0 [hbm:s6], $0xF7A  }
0x23: {  	s9 =	sor.u32 $0xD0000000, s2;
	s6 =	simm.s32 $0x108;
	_ =	swait.ge @!p0 [sflag:s8], $0x0  }
0x24: {  	s3 =	sadd.s32 $0x88, s3;
	s6 =	simm.s32 @!p1 $0x1082;
	[sflag:s4] =	ssyncset.s32 $0xFFFFF086  }
0x25: {  	[simem:s6], [sflag:s4] =	dma.local [hbm:s3], $0xF7A  }
0x26: {  	[smem:$0x3F9F] =	sst s1;
	(tag) =	ssettag s2;
	_ =	strace s9  }
0x27: {  	s1 =	sld [smem:$0x3FAF]  }
0x28: {  	s2 =	sld [smem:$0x3FB0]  }
0x29: {  	s4 =	sld [smem:$0x3FB2]  }
0x2a: {  	p0 =	seq.s32 s5, $0x0;
	s5 =	sld [smem:$0x3FB3]  }
0x2b: {  	s6 =	sld [smem:$0x3FB4]  }
0x2c: {  	s7 =	sld [smem:$0x3FB5]  }
0x2d: {  	s3 =	simm.s32 $0x108;
	s8 =	sld [smem:$0x3FB6]  }
0x2e: {  	s3 =	simm.s32 @!p0 $0x1082;
	s9 =	sld [smem:$0x3FB7]  }
0x2f: {  	lr =	sadd.s32 s0, s3;
	s0 =	sld [smem:$0x3FAE]  }
0x30: {  	s3 =	sld [smem:$0x3FB1]  }
0x31: {  	[smem:$0x3FBA] =	sst s10  }
0x32: {  	s10 =	sld [smem:$0x3FB8];
	_ =	sdelay $0x3  }
0x33: {  	p0 =	seq.s32 s10, $0x1;
	s10 =	sld [smem:$0x3FBA];
	_ =	sdelay $0x3  }
0x34: {  	[smem:$0x3FBA] =	sst s10  }
0x35: {  	s10 =	sld [smem:$0x3FB9];
	_ =	sdelay $0x3  }
0x36: {  	p1 =	seq.s32 s10, $0x1;
	s10 =	sld [smem:$0x3FBA];
	_ =	sdelay $0x3  }
0x37: {  	[smem:$0x3FBA] =	sst s10  }
0x38: {  	s10 =	sld [smem:$0x3FBB]  }
0x39: {  	_ = 	snop;
	(pc) =	sbr.ind lr, $3  }
0x3a: {  	_ = 	snop  }
0x3b: {  	_ = 	snop  }
0x3c: {  	p2 =	seq.s32 s10, $0x1;
	s10 =	sld [smem:$0x3FBA]  }
0x3d: {  	_ =	shalt  }
0x3e: {  	_ =	shalt  }
0x3f: {  	_ =	shalt  }
0x40: {  	_ =	shalt  }
0x41: {  	_ =	shalt  }
0x42: {  	_ =	shalt  }
0x43: {  	_ =	shalt  }
0x44: {  	_ =	shalt  }
0x45: {  	_ =	shalt  }
0x46: {  	_ =	shalt  }
0x47: {  	_ =	shalt  }
0x48: {  	_ =	shalt  }
0x49: {  	_ =	shalt  }
0x4a: {  	_ =	shalt  }
0x4b: {  	_ =	shalt  }
0x4c: {  	_ =	shalt  }
0x4d: {  	_ =	shalt  }
0x4e: {  	_ =	shalt  }
0x4f: {  	_ =	shalt  }
0x50: {  	_ =	shalt  }
0x51: {  	_ =	shalt  }
0x52: {  	_ =	shalt  }
0x53: {  	_ =	shalt  }
0x54: {  	_ =	shalt  }
0x55: {  	_ =	shalt  }
0x56: {  	_ =	shalt  }
0x57: {  	_ =	shalt  }
0x58: {  	_ =	shalt  }
0x59: {  	_ =	shalt  }
0x5a: {  	_ =	shalt  }
0x5b: {  	_ =	shalt  }
0x5c: {  	_ =	shalt  }
0x5d: {  	_ =	shalt  }
0x5e: {  	_ =	shalt  }
0x5f: {  	_ =	shalt  }
0x60: {  	_ =	shalt  }
0x61: {  	_ =	shalt  }
0x62: {  	_ =	shalt  }
0x63: {  	_ =	shalt  }
0x64: {  	_ =	shalt  }
0x65: {  	_ =	shalt  }
0x66: {  	_ =	shalt  }
0x67: {  	_ =	shalt  }
0x68: {  	_ =	shalt  }
0x69: {  	_ =	shalt  }
0x6a: {  	_ =	shalt  }
0x6b: {  	_ =	shalt  }
0x6c: {  	_ =	shalt  }
0x6d: {  	_ =	shalt  }
0x6e: {  	_ =	shalt  }
0x6f: {  	_ =	shalt  }
0x70: {  	_ =	shalt  }
0x71: {  	_ =	shalt  }
0x72: {  	_ =	shalt  }
0x73: {  	_ =	shalt  }
0x74: {  	_ =	shalt  }
0x75: {  	_ =	shalt  }
0x76: {  	_ =	shalt  }
0x77: {  	_ =	shalt  }
0x78: {  	_ =	shalt  }
0x79: {  	_ =	shalt  }
0x7a: {  	_ =	shalt  }
0x7b: {  	_ =	shalt  }
0x7c: {  	_ =	shalt  }
0x7d: {  	_ =	shalt  }
0x7e: {  	_ =	shalt  }
0x7f: {  	_ =	shalt  }
0x80: {  	_ =	shalt  }
0x81: {  	_ =	shalt  }
0x82: {  	_ =	shalt  }
0x83: {  	_ =	shalt  }
0x84: {  	_ =	shalt  }
0x85: {  	_ =	shalt  }
0x86: {  	_ =	shalt  }
0x87: {  	_ =	shalt  }
.Lfunc_end0:
.L_simem_size_0:
called_computation_lowered:
.L_overlay_start_0:
0x88: {  	s2 =	sld [smem:$0x3FD9]  }
0x89: {  	s3 =	sld [smem:$0x3FFE];
	_ =	sdelay $0x1  }
0x8a: {  	s1 =	srdreg.scid  }
0x8b: {  	s0 =	sand.u32 $0x1, s1  }
0x8c: {  	s17 =	sshll.u32 s0, $0xA;
	s2 =	sadd.s32 s3, s2  }
0x8d: {  	s2 =	sadd.s32 s2, s17  }
0x8e: {  	[smem:$0x3FC6] =	sst s2  }
0x8f: {  	_ = 	snop  }
0x90: {  	s2 =	sld [smem:$0x3FC8]  }
0x91: {  	s18 =	sld [smem:$0x3FD0];
	(tm) =	ssettm $0x1  }
0x92: {  	s4 =	sld [smem:$0x3FFB];
	_ =	sdelay $0x3  }
0x93: {  	_ =	strace s4  }
0x94: {  	s4 =	sld [smem:$0x3FFC];
	_ =	sdelay $0x3  }
0x95: {  	_ =	strace s4  }
0x96: {  	s4 =	sld [smem:$0x3FFD];
	_ =	sdelay $0x3  }
0x97: {  	_ =	strace s4  }
0x98: {  	_ =	strace $0x8FFFFFFF  }
0x99: {  	s19 =	sld [smem:$0x3FDB];
	_ =	sdelay $0x1  }
0x9a: {  	s5 =	simm.s32 $_scs_section_size  }
0x9b: {  	s6 =	simm.s32 $_size__tile_overlayer_lowered;
	s7 =	simm.s32 $_tile_overlayer_lowered  }
0x9c: {  	s22 =	simm.s32 $0x1BFF;
	s21 =	sshll.u32 s7, $0x1;
	s4 =	sadd.s32 s5, s19  }
0x9d: {  	s8 =	simm.s32 $0x0;
	s20 =	sshll.u32 s6, $0x1;
	s6 =	sadd.s32 s21, s4  }
0x9e: {  	[timem:s8], [sflag:s22] =	dma.local [hbm:s6], s20  }
0x9f: {  	_ =	swait.ge [sflag:s22], s20  }
0xa0: {  	s5 =	ssub.s32 $0x0, s20;
	[sflag:s22] =	ssyncset.done $0x0  }
0xa1: {  	[sflag:s22] =	ssyncadd.s32 s5;
	_ =	sdelay $0x1  }
0xa2: {  	s23 =	simm.s32 $0x1B8B  }
0xa3: {  	_ =	swait.ge [sflag:s23], $0x1  }
0xa4: {  	[sflag:s23] =	ssyncset.done $0x0  }
0xa5: {  	s25 =	simm.s32 $0x1B8E;
	s24 =	sld [smem:$0x3FFE];
	[sflag:s23] =	ssyncadd.s32 $0xFFFFFFFF  }
0xa6: {  	s26 =	simm.s32 $execute0_lowered;
	[smem:$0x3FD2] =	sst s25  }
0xa7: {  	s6 =	sshll.u32 s26, $0x1;
	_ =	strace $0x80000046;
	[dreg:$0x1] =	wrdreg $0xFFFFFFFF  }
0xa8: {  	s28 =	simm.s32 $_size_execute0_lowered;
	s4 =	sadd.s32 s4, s6;
	[dreg:$0x0] =	wrdreg $0x0  }
0xa9: {  	s6 =	sshll.u32 s28, $0x1;
	[dreg:$0x2] =	wrdreg s4  }
0xaa: {  	[dreg:$0x3] =	wrdreg s6  }
0xab: {  	[dreg:$0x4] =	wrdreg $0xC0  }
0xac: {  	_ =	task [dreg:s8], $0x5FFFF  }
0xad: {  	[dreg:$0x1] =	wrdreg $0xFFFFFFFF  }
0xae: {  	[dreg:$0x0] =	wrdreg $0x60  }
0xaf: {  	[dreg:$0x2] =	wrdreg s24  }
0xb0: {  	[dreg:$0x3] =	wrdreg s2  }
0xb1: {  	[dreg:$0x4] =	wrdreg s18  }
0xb2: {  	[dreg:$0x5] =	wrdreg $0x9  }
0xb3: {  	_ =	task.clear_ibuf [dreg:s8], $0x6FFFF;
	_ =	strace $0x90000046  }
0xb4: {  	s29 =	simm.s32 $0x9;
	_ =	strace $0x80000048  }
0xb5: {  	_ =	swait.ge [sflag:s29], $0x1  }
0xb6: {  	[sflag:s29] =	ssyncadd.s32 $0xFFFFFFFF  }
0xb7: {  	_ =	strace $0x90000048  }
0xb8: {  	_ =	sfence  }
0xb9: {  	s30 =	sld [smem:$0x0];
	_ =	sdelay $0x2  }
0xba: {  	s31 =	sshll.u32 s1, $0xD;
	s1 =	sshrl.u32 s1, $0x2  }
0xbb: {  	s3 =	sand.u32 $0x4000, s31;
	s1 =	sadd.s32 s1, s30  }
0xbc: {  	s0 =	sor.u32 s3, s0;
	s1 =	sshll.u32 s1, $0x11  }
0xbd: {  	s0 =	sor.u32 s1, s0  }
0xbe: {  	s0 =	sadd.s32 $0x8F2B, s0  }
0xbf: {  	[sflag:s0] =	ssyncadd.remote.s32 $0x1  }
0xc0: {  	_ =	sfence.sel $0xFFFF  }
0xc1: {  	[dreg:$0x0] =	wrdreg $0xFFFFFFFF;
	(pc) =	sbr.abs _section_cstart, $3  }
0xc2: {  	[dreg:$0x1] =	wrdreg $0xFFFFFFFF  }
0xc3: {  	_ =	task.clear_ibuf [dreg:s8], $0x2FFFF;
	_ =	strace $0x9FFFFFFF  }
0xc4: {  	(tm) =	ssettm $0x7FFFFFFF  }
0xc5: {  	_ =	shalt  }
tec
execute0_lowered:
.L_overlay_start_1:
0x0: {  	(tag) =	ssettag $0x1  }
0x1: {  	s0 =	rddreg [dreg:$0x0]  }
0x2: {  	s2 =	rddreg [dreg:$0x1];
	s1 =	srdreg.scid  }
0x3: {  	s4 =	stileid.u32;
	s3 =	rddreg [dreg:$0x2]  }
0x4: {  	s5 =	simm.s32 $0x0;
	s13 =	simm.s32 $0x80;
	s14 =	simm.s32 $0x1C00  }
0x5: {  	s15 =	simm.s32 $0x5C00;
	s17 =	simm.s32 $0x9C00;
	s19 =	simm.s32 $0xDC00  }
0x6: {  	s20 =	simm.s32 $0x11C00;
	s21 =	simm.s32 $0x1;
	s22 =	simm.s32 $0x2  }
0x7: {  	s23 =	simm.s32 $0x3;
	s24 =	simm.s32 $0x4;
	s28 =	simm.s32 $0x7  }
0x8: {  	s29 =	simm.s32 $0x8;
	s30 =	simm.s32 $0x9;
	s31 =	simm.s32 $0xA  }
0x9: {  	s1 =	sand.u32 $0x1, s1;
	s4 =	sshll.u32 s4, $0x1;
	[smem:$0x7FF] =	sst s5  }
0xa: {  	s4 =	sor.u32 s1, s4;
	s1 =	ssub.s32 $0x2, s1;
	_ =	strace $0x80000047  }
0xb: {  	s6 =	smul.u32 $0x380, s4;
	s7 =	sshrl.u32 s1, $0x1;
	s25 =	sshll.u32 s4, $0xB  }
0xc: {  	s8 =	sor.u32 $0x40, s4;
	s9 =	sor.u32 $0x60, s4;
	s1 =	ssub.s32 s1, s7  }
0xd: {  	s7 =	sor.u32 $0x20, s4;
	s0 =	sadd.s32 s6, s0;
	s26 =	smax.u32 s1, $0x1  }
0xe: {  	s10 =	sadd.s32 s3, s25;
	s0 =	sadd.s32 $0x400, s0;
	[dreg:$0x5] =	wrdreg s26  }
0xf: {  	s25 =	simm.s32 $0x5;
	s1 =	simm.s32 $0x0;
	[dreg:$0x4] =	wrdreg s0  }
.LBB2_1:
0x10: {  	s0 =	rddreg [dreg:$0x4];
	s16 =	simm.s32 $0xB  }
0x11: {  	[tilespmem:s5], [sflag:$0xB] =	stream.linear.gather [hbm4b:s0+s5], $0x1900, $0x38;
	[tilespmem:$0x15C00] =	vst v63  }
0x12: {  	_ =	swait.ge [sflag:s16], $0x1900  }
0x13: {  	[sflag:s16] =	ssyncset.done $0x0  }
0x14: {  	[sflag:s16] =	ssyncadd.s32 $0xFFFFE700  }
0x15: {  	[tilespmem:s14], [sflag:$0x1] =	stream.indirect.gather [hbm4b:s2+s13], $0x80, s5, s13, $0xb8;
	[tilespmem:$0x15C00] =	vst v63  }
0x16: {  	_ = 	snop  }
0x17: {  	[tilespmem:s15], [sflag:$0x2] =	stream.indirect.gather [hbm4b:s2+s13], $0x80, s13, s13, $0xb8;
	[tilespmem:$0x15C00] =	vst v63  }
0x18: {  	s18 =	simm.s32 $0x100  }
0x19: {  	[tilespmem:s17], [sflag:$0x3] =	stream.indirect.gather [hbm4b:s2+s13], $0x80, s18, s13, $0xb8;
	[tilespmem:$0x15C00] =	vst v63  }
0x1a: {  	s26 =	simm.s32 $0x180;
	s0 =	simm.s32 $0x0  }
0x1b: {  	[tilespmem:s19], [sflag:$0x4] =	stream.indirect.gather [hbm4b:s2+s13], $0x80, s26, s13, $0xb8;
	[tilespmem:$0x15C00] =	vst v63  }
.LBB2_2:
0x1c: {  	s6 =	smul.u32 $0x5, s0;
	p0 =	seq.s32 s0, $0x0  }
0x1d: {  	s11 =	simm.s32 @!p0 $0xA  }
0x1e: {  	s16 =	sadd.s32 $0x4, s6;
	_ =	swait.ge @!p0 [sflag:s11], $0x4000  }
0x1f: {  	[sflag:s11] =	ssyncset.done @!p0 $0x0;
	s6 =	sshll.u32 s16, $0x7  }
0x20: {  	[sflag:s11] =	ssyncadd.s32 @!p0 $0xFFFFC000;
	s6 =	sand.u32 $0x3FFFFF80, s6  }
0x21: {  	[tilespmem:s20], [sflag:$0x5] =	stream.indirect.gather [hbm4b:s2+s13], $0x80, s6, s13, $0xb8;
	[tilespmem:$0x15C00] =	vst v63  }
0x22: {  	_ =	swait.ge [sflag:s21], $0x4000  }
0x23: {  	[sflag:s21] =	ssyncset.done $0x0  }
0x24: {  	s6 =	simm.s32 $0x1D00;
	[sflag:s21] =	ssyncadd.s32 $0xFFFFC000  }
0x25: {  	v0 =	vld [tilespmem:s6+$0xF0]  }
0x26: {  	v1 =	vld [tilespmem:s6+$0xFFFFFF10]  }
0x27: {  	v2 =	vld [tilespmem:s6+$0xFFFFFF20]  }
0x28: {  	v3 =	vld [tilespmem:s6+$0xFFFFFF30]  }
0x29: {  	v6 =	vld [tilespmem:s6+$0xFFFFFF60]  }
0x2a: {  	v4 =	vld [tilespmem:s6+$0xFFFFFF40]  }
0x2b: {  	v5 =	vld [tilespmem:s6+$0xFFFFFF50];
	v0 =	vmul.f32 $1.131370830e+01, v0  }
0x2c: {  	v8 =	vld [tilespmem:s6+$0xFFFFFF80];
	v1 =	vmul.f32 $1.131370830e+01, v1  }
0x2d: {  	v7 =	vld [tilespmem:s6+$0xFFFFFF70];
	v2 =	vmul.f32 $1.131370830e+01, v2;
	[tilespmem:s6+$0xF0] =	vst v0  }
0x2e: {  	v6 =	vmul.f32 $1.131370830e+01, v6;
	v0 =	vld [tilespmem:s6+$0xFFFFFF90];
	[tilespmem:s6+$0xFFFFFF10] =	vst v1  }
0x2f: {  	v1 =	vmul.f32 $1.131370830e+01, v3;
	v3 =	vld [tilespmem:s6+$0xFFFFFFA0];
	[tilespmem:s6+$0xFFFFFF20] =	vst v2;
	v2 =	vmul.f32 $1.131370830e+01, v4  }
0x30: {  	[tilespmem:s6+$0xFFFFFF60] =	vst v6;
	v6 =	vld [tilespmem:s6+$0xFFFFFFF0]  }
0x31: {  	v4 =	vld [tilespmem:s6+$0xFFFFFFB0];
	[tilespmem:s6+$0xFFFFFF40] =	vst v2;
	v2 =	vmul.f32 $1.131370830e+01, v8  }
0x32: {  	[tilespmem:s6+$0xFFFFFF30] =	vst v1;
	v1 =	vmul.f32 $1.131370830e+01, v5;
	v5 =	vld [tilespmem:s6+$0xFFFFFFC0]  }
0x33: {  	v8 =	vld [tilespmem:s6+$0xFFFFFFD0];
	[tilespmem:s6+$0xFFFFFF80] =	vst v2;
	v2 =	vmul.f32 $1.131370830e+01, v7  }
0x34: {  	[tilespmem:s6+$0xFFFFFF50] =	vst v1;
	v1 =	vld [tilespmem:s6+$0xFFFFFFE0];
	v0 =	vmul.f32 $1.131370830e+01, v0  }
0x35: {  	v7 =	vld [tilespmem:s6+$0x30];
	v6 =	vmul.f32 $1.131370830e+01, v6;
	[tilespmem:s6+$0xFFFFFF70] =	vst v2  }
0x36: {  	v2 =	vmul.f32 $1.131370830e+01, v3;
	v3 =	vld [tilespmem:s6+$0x0];
	[tilespmem:s6+$0xFFFFFF90] =	vst v0  }
0x37: {  	v0 =	vmul.f32 $1.131370830e+01, v4;
	v4 =	vld [tilespmem:s6+$0x10];
	[tilespmem:s6+$0xFFFFFFF0] =	vst v6  }
0x38: {  	[tilespmem:s6+$0xFFFFFFA0] =	vst v2;
	v2 =	vmul.f32 $1.131370830e+01, v5;
	v5 =	vld [tilespmem:s6+$0x20]  }
0x39: {  	v6 =	vld [tilespmem:s6+$0x80];
	[tilespmem:s6+$0xFFFFFFB0] =	vst v0;
	v0 =	vmul.f32 $1.131370830e+01, v8  }
0x3a: {  	v1 =	vmul.f32 $1.131370830e+01, v1;
	[tilespmem:s6+$0xFFFFFFC0] =	vst v2;
	v2 =	vld [tilespmem:s6+$0x40]  }
0x3b: {  	[tilespmem:s6+$0xFFFFFFD0] =	vst v0;
	v0 =	vmul.f32 $1.131370830e+01, v3;
	v3 =	vld [tilespmem:s6+$0x50]  }
0x3c: {  	[tilespmem:s6+$0xFFFFFFE0] =	vst v1;
	v1 =	vld [tilespmem:s6+$0x60];
	v4 =	vmul.f32 $1.131370830e+01, v4  }
0x3d: {  	[tilespmem:s6+$0x0] =	vst v0;
	v0 =	vmul.f32 $1.131370830e+01, v5;
	v5 =	vld [tilespmem:s6+$0x70]  }
0x3e: {  	v6 =	vmul.f32 $1.131370830e+01, v6;
	[tilespmem:s6+$0x10] =	vst v4  }
0x3f: {  	v4 =	vmul.f32 $1.131370830e+01, v7;
	v7 =	vld [tilespmem:s6+$0x90];
	[tilespmem:s6+$0x20] =	vst v0;
	v0 =	vmul.f32 $1.131370830e+01, v2  }
0x40: {  	v8 =	vld [tilespmem:s6+$0xA0];
	[tilespmem:s6+$0x80] =	vst v6;
	v2 =	vmul.f32 $1.131370830e+01, v3  }
0x41: {  	v3 =	vmul.f32 $1.131370830e+01, v1;
	[tilespmem:s6+$0x40] =	vst v0;
	v0 =	vld [tilespmem:s6+$0xB0]  }
0x42: {  	v1 =	vld [tilespmem:s6+$0xC0];
	[tilespmem:s6+$0x50] =	vst v2;
	v2 =	vmul.f32 $1.131370830e+01, v5  }
0x43: {  	[tilespmem:s6+$0x60] =	vst v3;
	v3 =	vld [tilespmem:s6+$0xD0]  }
0x44: {  	v5 =	vmul.f32 $1.131370830e+01, v7;
	[tilespmem:s6+$0x70] =	vst v2;
	v2 =	vld [tilespmem:s6+$0xE0]  }
0x45: {  	s12 =	simm.s32 $0x1F00;
	s11 =	simm.s32 $0x0;
	v6 =	vmul.f32 $1.131370830e+01, v8;
	[tilespmem:s6+$0x30] =	vst v4;
	v4 =	vld [tilespmem:s6+$0xFFFFFF00]  }
.LBB2_3:
0x46: {  	v7 =	vld [tilespmem:s12+$0xF0];
	s11 =	sadd.s32 $0x4, s11;
	[tilespmem:s6+$0x90] =	vst v5;
	v0 =	vmul.f32 $1.131370830e+01, v0  }
0x47: {  	v5 =	vld [tilespmem:s12+$0xFFFFFF10];
	p0 =	slt.u32 s11, $0x7C;
	[tilespmem:s6+$0xA0] =	vst v6;
	v1 =	vmul.f32 $1.131370830e+01, v1  }
0x48: {  	v6 =	vld [tilespmem:s12+$0xFFFFFF20];
	[tilespmem:s6+$0xB0] =	vst v0;
	v0 =	vmul.f32 $1.131370830e+01, v3  }
0x49: {  	v3 =	vld [tilespmem:s12+$0xFFFFFF30];
	[tilespmem:s6+$0xC0] =	vst v1;
	v1 =	vmul.f32 $1.131370830e+01, v2  }
0x4a: {  	v2 =	vld [tilespmem:s12+$0xFFFFFF40];
	v4 =	vmul.f32 $1.131370830e+01, v4;
	[tilespmem:s6+$0xD0] =	vst v0  }
0x4b: {  	v0 =	vld [tilespmem:s12+$0xFFFFFF50];
	v7 =	vmul.f32 $1.131370830e+01, v7;
	[tilespmem:s6+$0xE0] =	vst v1  }
0x4c: {  	v1 =	vmul.f32 $1.131370830e+01, v5;
	v5 =	vld [tilespmem:s12+$0xFFFFFF60];
	[tilespmem:s6+$0xFFFFFF00] =	vst v4;
	s6 =	smov.u32 s12  }
0x4d: {  	v4 =	vmul.f32 $1.131370830e+01, v6;
	v6 =	vld [tilespmem:s12+$0xFFFFFF70];
	[tilespmem:s12+$0xF0] =	vst v7  }
0x4e: {  	[tilespmem:s12+$0xFFFFFF10] =	vst v1;
	v1 =	vmul.f32 $1.131370830e+01, v3;
	v3 =	vld [tilespmem:s12+$0xFFFFFF80]  }
0x4f: {  	[tilespmem:s12+$0xFFFFFF20] =	vst v4;
	v2 =	vmul.f32 $1.131370830e+01, v2;
	v4 =	vld [tilespmem:s12+$0xFFFFFF90]  }
0x50: {  	[tilespmem:s12+$0xFFFFFF30] =	vst v1;
	v0 =	vmul.f32 $1.131370830e+01, v0;
	v1 =	vld [tilespmem:s12+$0xFFFFFFA0]  }
0x51: {  	[tilespmem:s12+$0xFFFFFF40] =	vst v2;
	v2 =	vmul.f32 $1.131370830e+01, v5;
	v5 =	vld [tilespmem:s12+$0xFFFFFFB0]  }
0x52: {  	[tilespmem:s12+$0xFFFFFF50] =	vst v0;
	v0 =	vmul.f32 $1.131370830e+01, v6;
	v6 =	vld [tilespmem:s12+$0xFFFFFFC0]  }
0x53: {  	[tilespmem:s12+$0xFFFFFF60] =	vst v2;
	v2 =	vmul.f32 $1.131370830e+01, v3;
	v3 =	vld [tilespmem:s12+$0xFFFFFFD0]  }
0x54: {  	[tilespmem:s12+$0xFFFFFF70] =	vst v0;
	v0 =	vmul.f32 $1.131370830e+01, v4;
	v4 =	vld [tilespmem:s12+$0xFFFFFFE0]  }
0x55: {  	[tilespmem:s12+$0xFFFFFF80] =	vst v2;
	v1 =	vmul.f32 $1.131370830e+01, v1;
	v2 =	vld [tilespmem:s12+$0xFFFFFFF0]  }
0x56: {  	[tilespmem:s12+$0xFFFFFF90] =	vst v0;
	v0 =	vmul.f32 $1.131370830e+01, v5;
	v5 =	vld [tilespmem:s12+$0x0]  }
0x57: {  	[tilespmem:s12+$0xFFFFFFA0] =	vst v1;
	v1 =	vmul.f32 $1.131370830e+01, v6;
	v6 =	vld [tilespmem:s12+$0x10]  }
0x58: {  	[tilespmem:s12+$0xFFFFFFB0] =	vst v0;
	v0 =	vmul.f32 $1.131370830e+01, v3;
	v3 =	vld [tilespmem:s12+$0x20]  }
0x59: {  	[tilespmem:s12+$0xFFFFFFC0] =	vst v1;
	v1 =	vmul.f32 $1.131370830e+01, v4;
	v4 =	vld [tilespmem:s12+$0x30]  }
0x5a: {  	[tilespmem:s12+$0xFFFFFFD0] =	vst v0;
	v0 =	vmul.f32 $1.131370830e+01, v2;
	v2 =	vld [tilespmem:s12+$0x40]  }
0x5b: {  	[tilespmem:s12+$0xFFFFFFE0] =	vst v1;
	v1 =	vmul.f32 $1.131370830e+01, v5;
	v5 =	vld [tilespmem:s12+$0x50]  }
0x5c: {  	[tilespmem:s12+$0xFFFFFFF0] =	vst v0;
	v0 =	vmul.f32 $1.131370830e+01, v6;
	v6 =	vld [tilespmem:s12+$0x60]  }
0x5d: {  	[tilespmem:s12+$0x0] =	vst v1;
	v1 =	vmul.f32 $1.131370830e+01, v3;
	v3 =	vld [tilespmem:s12+$0x70]  }
0x5e: {  	[tilespmem:s12+$0x10] =	vst v0;
	v0 =	vmul.f32 $1.131370830e+01, v4;
	v4 =	vld [tilespmem:s12+$0x80]  }
0x5f: {  	[tilespmem:s12+$0x20] =	vst v1;
	v1 =	vmul.f32 $1.131370830e+01, v2;
	v2 =	vld [tilespmem:s12+$0x90]  }
0x60: {  	[tilespmem:s12+$0x30] =	vst v0;
	v5 =	vmul.f32 $1.131370830e+01, v5;
	v7 =	vld [tilespmem:s12+$0xA0]  }
.Ltmp0:
0x61: {  	[tilespmem:s12+$0x40] =	vst v1;
	v6 =	vmul.f32 $1.131370830e+01, v6;
	v0 =	vld [tilespmem:s12+$0xB0];
	(pc) =	sbr.rel @p0 .LBB2_3-.Ltmp0, $4  }
0x62: {  	[tilespmem:s12+$0x50] =	vst v5;
	v5 =	vmul.f32 $1.131370830e+01, v3;
	v1 =	vld [tilespmem:s12+$0xC0]  }
0x63: {  	[tilespmem:s12+$0x60] =	vst v6;
	v6 =	vmul.f32 $1.131370830e+01, v4;
	v3 =	vld [tilespmem:s12+$0xD0]  }
0x64: {  	[tilespmem:s12+$0x70] =	vst v5;
	v5 =	vmul.f32 $1.131370830e+01, v2;
	v2 =	vld [tilespmem:s12+$0xE0]  }
0x65: {  	s12 =	sadd.s32 $0x200, s12;
	v4 =	vld [tilespmem:s6+$0xFFFFFF00];
	[tilespmem:s6+$0x80] =	vst v6;
	v6 =	vmul.f32 $1.131370830e+01, v7  }
0x66: {  	[tilespmem:s6+$0x90] =	vst v5;
	v0 =	vmul.f32 $1.131370830e+01, v0  }
0x67: {  	[tilespmem:s6+$0xA0] =	vst v6;
	v1 =	vmul.f32 $1.131370830e+01, v1  }
0x68: {  	s18 =	smul.u32 $0xA0, s0;
	[tilespmem:s6+$0xB0] =	vst v0;
	v0 =	vmul.f32 $1.131370830e+01, v3  }
0x69: {  	[tilespmem:s6+$0xC0] =	vst v1;
	v1 =	vmul.f32 $1.131370830e+01, v2  }
0x6a: {  	s11 =	sor.u32 s4, s18;
	v2 =	vmul.f32 $1.131370830e+01, v4;
	[tilespmem:s6+$0xD0] =	vst v0  }
0x6b: {  	p0 =	seq.s32 s0, $0x9;
	s11 =	sshll.u32 s11, $0xB;
	[tilespmem:s6+$0xE0] =	vst v1  }
0x6c: {  	s26 =	sadd.s32 s3, s11;
	[tilespmem:s6+$0xFFFFFF00] =	vst v2;
	s6 =	simm.s32 @!p0 $0x6  }
0x6d: {  	[hbm4b:s26+s5] =	stream.linear.scatter [tilespmem:s14], [sflag:$0x6], $0x4000, $0x38;
	[tilespmem:$0x15C00] =	vst v63  }
0x6e: {  	s11 =	smul.u32 @!p0 $0xA00, s0;
	_ =	swait.ge @!p0 [sflag:s6], $0x4000  }
0x6f: {  	[sflag:s6] =	ssyncset.done @!p0 $0x0  }
0x70: {  	[sflag:s6] =	ssyncadd.s32 @!p0 $0xFFFFC000;
	s6 =	sshra.s32 @!p0 s11, $0x2  }
0x71: {  	s12 =	simm.s32 @!p0 $0x80;
	s26 =	simm.s32 @!p0 $0x1C00;
	s11 =	sadd.s32 @!p0 $0x280, s6  }
0x72: {  	[tilespmem:s26], [sflag:$0x1] =	stream.indirect.gather @!p0 [hbm4b:s2+s12], $0x80, s11, s12, $0xb8;
	[tilespmem:$0x15C00] =	vst v63  }
0x73: {  	_ =	swait.ge [sflag:s22], $0x4000  }
0x74: {  	[sflag:s22] =	ssyncset.done $0x0  }
0x75: {  	s11 =	simm.s32 $0x5C00;
	[sflag:s22] =	ssyncadd.s32 $0xFFFFC000  }
0x76: {  	v0 =	vld [tilespmem:s11+$0x1F0]  }
0x77: {  	v1 =	vld [tilespmem:s11+$0x10]  }
0x78: {  	v2 =	vld [tilespmem:s11+$0x20]  }
0x79: {  	v3 =	vld [tilespmem:s11+$0x30]  }
0x7a: {  	v6 =	vld [tilespmem:s11+$0x60]  }
0x7b: {  	v4 =	vld [tilespmem:s11+$0x40]  }
0x7c: {  	v5 =	vld [tilespmem:s11+$0x50];
	v0 =	vmul.f32 $1.131370830e+01, v0  }
0x7d: {  	v8 =	vld [tilespmem:s11+$0x80];
	v1 =	vmul.f32 $1.131370830e+01, v1  }
0x7e: {  	v7 =	vld [tilespmem:s11+$0x70];
	v2 =	vmul.f32 $1.131370830e+01, v2;
	[tilespmem:s11+$0x1F0] =	vst v0  }
0x7f: {  	v6 =	vmul.f32 $1.131370830e+01, v6;
	v0 =	vld [tilespmem:s11+$0x90];
	[tilespmem:s11+$0x10] =	vst v1  }
0x80: {  	v1 =	vmul.f32 $1.131370830e+01, v3;
	v3 =	vld [tilespmem:s11+$0xA0];
	[tilespmem:s11+$0x20] =	vst v2;
	v2 =	vmul.f32 $1.131370830e+01, v4  }
0x81: {  	[tilespmem:s11+$0x60] =	vst v6;
	v6 =	vld [tilespmem:s11+$0xF0]  }
0x82: {  	v4 =	vld [tilespmem:s11+$0xB0];
	[tilespmem:s11+$0x40] =	vst v2;
	v2 =	vmul.f32 $1.131370830e+01, v8  }
0x83: {  	[tilespmem:s11+$0x30] =	vst v1;
	v1 =	vmul.f32 $1.131370830e+01, v5;
	v5 =	vld [tilespmem:s11+$0xC0]  }
0x84: {  	v8 =	vld [tilespmem:s11+$0xD0];
	[tilespmem:s11+$0x80] =	vst v2;
	v2 =	vmul.f32 $1.131370830e+01, v7  }
0x85: {  	[tilespmem:s11+$0x50] =	vst v1;
	v1 =	vld [tilespmem:s11+$0xE0];
	v0 =	vmul.f32 $1.131370830e+01, v0  }
0x86: {  	v7 =	vld [tilespmem:s11+$0x130];
	v6 =	vmul.f32 $1.131370830e+01, v6;
	[tilespmem:s11+$0x70] =	vst v2  }
0x87: {  	v2 =	vmul.f32 $1.131370830e+01, v3;
	v3 =	vld [tilespmem:s11+$0x100];
	[tilespmem:s11+$0x90] =	vst v0  }
0x88: {  	v0 =	vmul.f32 $1.131370830e+01, v4;
	v4 =	vld [tilespmem:s11+$0x110];
	[tilespmem:s11+$0xF0] =	vst v6  }
0x89: {  	[tilespmem:s11+$0xA0] =	vst v2;
	v2 =	vmul.f32 $1.131370830e+01, v5;
	v5 =	vld [tilespmem:s11+$0x120]  }
0x8a: {  	v6 =	vld [tilespmem:s11+$0x180];
	[tilespmem:s11+$0xB0] =	vst v0;
	v0 =	vmul.f32 $1.131370830e+01, v8  }
0x8b: {  	v1 =	vmul.f32 $1.131370830e+01, v1;
	[tilespmem:s11+$0xC0] =	vst v2;
	v2 =	vld [tilespmem:s11+$0x140]  }
0x8c: {  	[tilespmem:s11+$0xD0] =	vst v0;
	v0 =	vmul.f32 $1.131370830e+01, v3  }
0x8d: {  	v3 =	vld [tilespmem:s11+$0x150];
	[tilespmem:s11+$0xE0] =	vst v1;
	v4 =	vmul.f32 $1.131370830e+01, v4  }
0x8e: {  	v1 =	vld [tilespmem:s11+$0x160];
	[tilespmem:s11+$0x100] =	vst v0;
	v0 =	vmul.f32 $1.131370830e+01, v5  }
0x8f: {  	v6 =	vmul.f32 $1.131370830e+01, v6;
	v5 =	vld [tilespmem:s11+$0x170];
	[tilespmem:s11+$0x110] =	vst v4  }
0x90: {  	v4 =	vmul.f32 $1.131370830e+01, v7;
	v7 =	vld [tilespmem:s11+$0x190];
	[tilespmem:s11+$0x120] =	vst v0;
	v0 =	vmul.f32 $1.131370830e+01, v2  }
0x91: {  	v8 =	vld [tilespmem:s11+$0x1A0];
	[tilespmem:s11+$0x180] =	vst v6  }
0x92: {  	v2 =	vmul.f32 $1.131370830e+01, v3;
	[tilespmem:s11+$0x140] =	vst v0;
	v0 =	vld [tilespmem:s11+$0x1B0]  }
0x93: {  	[tilespmem:s11+$0x130] =	vst v4;
	v3 =	vmul.f32 $1.131370830e+01, v1;
	v1 =	vld [tilespmem:s11+$0x1C0]  }
0x94: {  	[tilespmem:s11+$0x150] =	vst v2;
	v4 =	vmul.f32 $1.131370830e+01, v5;
	v2 =	vld [tilespmem:s11+$0x1D0]  }
0x95: {  	[tilespmem:s11+$0x160] =	vst v3;
	v3 =	vld [tilespmem:s11+$0x1E0];
	v5 =	vmul.f32 $1.131370830e+01, v7  }
0x96: {  	s12 =	simm.s32 $0x0;
	s26 =	simm.s32 $0x5E00;
	v6 =	vmul.f32 $1.131370830e+01, v8;
	[tilespmem:s11+$0x170] =	vst v4;
	v4 =	vld [tilespmem:s11+$0x0]  }
.LBB2_5:
0x97: {  	v7 =	vld [tilespmem:s26+$0x1F0];
	s12 =	sadd.s32 $0x4, s12;
	[tilespmem:s11+$0x190] =	vst v5;
	v0 =	vmul.f32 $1.131370830e+01, v0  }
0x98: {  	v5 =	vld [tilespmem:s26+$0x10];
	p1 =	slt.u32 s12, $0x7C;
	[tilespmem:s11+$0x1A0] =	vst v6;
	v1 =	vmul.f32 $1.131370830e+01, v1  }
0x99: {  	v6 =	vld [tilespmem:s26+$0x20];
	[tilespmem:s11+$0x1B0] =	vst v0;
	v0 =	vmul.f32 $1.131370830e+01, v2  }
0x9a: {  	v2 =	vld [tilespmem:s26+$0x30];
	[tilespmem:s11+$0x1C0] =	vst v1;
	v1 =	vmul.f32 $1.131370830e+01, v3  }
0x9b: {  	v3 =	vld [tilespmem:s26+$0x40];
	v4 =	vmul.f32 $1.131370830e+01, v4;
	[tilespmem:s11+$0x1D0] =	vst v0  }
0x9c: {  	v0 =	vld [tilespmem:s26+$0x50];
	v7 =	vmul.f32 $1.131370830e+01, v7;
	[tilespmem:s11+$0x1E0] =	vst v1  }
0x9d: {  	v1 =	vmul.f32 $1.131370830e+01, v5;
	v5 =	vld [tilespmem:s26+$0x60];
	[tilespmem:s11+$0x0] =	vst v4;
	s11 =	smov.u32 s26  }
0x9e: {  	v4 =	vmul.f32 $1.131370830e+01, v6;
	v6 =	vld [tilespmem:s26+$0x70];
	[tilespmem:s26+$0x1F0] =	vst v7  }
0x9f: {  	[tilespmem:s26+$0x10] =	vst v1;
	v1 =	vmul.f32 $1.131370830e+01, v2;
	v2 =	vld [tilespmem:s26+$0x80]  }
0xa0: {  	[tilespmem:s26+$0x20] =	vst v4;
	v3 =	vmul.f32 $1.131370830e+01, v3;
	v4 =	vld [tilespmem:s26+$0x90]  }
0xa1: {  	[tilespmem:s26+$0x30] =	vst v1;
	v0 =	vmul.f32 $1.131370830e+01, v0;
	v1 =	vld [tilespmem:s26+$0xA0]  }
0xa2: {  	[tilespmem:s26+$0x40] =	vst v3;
	v3 =	vmul.f32 $1.131370830e+01, v5;
	v5 =	vld [tilespmem:s26+$0xB0]  }
0xa3: {  	[tilespmem:s26+$0x50] =	vst v0;
	v0 =	vmul.f32 $1.131370830e+01, v6;
	v6 =	vld [tilespmem:s26+$0xC0]  }
0xa4: {  	[tilespmem:s26+$0x60] =	vst v3;
	v2 =	vmul.f32 $1.131370830e+01, v2;
	v3 =	vld [tilespmem:s26+$0xD0]  }
0xa5: {  	[tilespmem:s26+$0x70] =	vst v0;
	v0 =	vmul.f32 $1.131370830e+01, v4;
	v4 =	vld [tilespmem:s26+$0xE0]  }
0xa6: {  	[tilespmem:s26+$0x80] =	vst v2;
	v1 =	vmul.f32 $1.131370830e+01, v1;
	v2 =	vld [tilespmem:s26+$0xF0]  }
0xa7: {  	[tilespmem:s26+$0x90] =	vst v0;
	v0 =	vmul.f32 $1.131370830e+01, v5;
	v5 =	vld [tilespmem:s26+$0x100]  }
0xa8: {  	[tilespmem:s26+$0xA0] =	vst v1;
	v1 =	vmul.f32 $1.131370830e+01, v6;
	v6 =	vld [tilespmem:s26+$0x110]  }
0xa9: {  	[tilespmem:s26+$0xB0] =	vst v0;
	v0 =	vmul.f32 $1.131370830e+01, v3;
	v3 =	vld [tilespmem:s26+$0x120]  }
0xaa: {  	[tilespmem:s26+$0xC0] =	vst v1;
	v1 =	vmul.f32 $1.131370830e+01, v4;
	v4 =	vld [tilespmem:s26+$0x130]  }
0xab: {  	[tilespmem:s26+$0xD0] =	vst v0;
	v0 =	vmul.f32 $1.131370830e+01, v2;
	v2 =	vld [tilespmem:s26+$0x140]  }
0xac: {  	[tilespmem:s26+$0xE0] =	vst v1;
	v1 =	vmul.f32 $1.131370830e+01, v5;
	v5 =	vld [tilespmem:s26+$0x150]  }
0xad: {  	[tilespmem:s26+$0xF0] =	vst v0;
	v0 =	vmul.f32 $1.131370830e+01, v6;
	v6 =	vld [tilespmem:s26+$0x160]  }
0xae: {  	[tilespmem:s26+$0x100] =	vst v1;
	v1 =	vmul.f32 $1.131370830e+01, v3;
	v3 =	vld [tilespmem:s26+$0x170]  }
0xaf: {  	[tilespmem:s26+$0x110] =	vst v0;
	v0 =	vmul.f32 $1.131370830e+01, v4;
	v4 =	vld [tilespmem:s26+$0x180]  }
0xb0: {  	[tilespmem:s26+$0x120] =	vst v1;
	v1 =	vmul.f32 $1.131370830e+01, v2;
	v7 =	vld [tilespmem:s26+$0x190]  }
0xb1: {  	[tilespmem:s26+$0x130] =	vst v0;
	v2 =	vmul.f32 $1.131370830e+01, v5;
	v8 =	vld [tilespmem:s26+$0x1A0]  }
.Ltmp1:
0xb2: {  	[tilespmem:s26+$0x140] =	vst v1;
	v5 =	vmul.f32 $1.131370830e+01, v6;
	v0 =	vld [tilespmem:s26+$0x1B0];
	(pc) =	sbr.rel @p1 .LBB2_5-.Ltmp1, $4  }
0xb3: {  	[tilespmem:s26+$0x150] =	vst v2;
	v3 =	vmul.f32 $1.131370830e+01, v3;
	v1 =	vld [tilespmem:s26+$0x1C0]  }
0xb4: {  	[tilespmem:s26+$0x160] =	vst v5;
	v6 =	vmul.f32 $1.131370830e+01, v4;
	v2 =	vld [tilespmem:s26+$0x1D0]  }
0xb5: {  	[tilespmem:s26+$0x170] =	vst v3;
	v5 =	vmul.f32 $1.131370830e+01, v7;
	v3 =	vld [tilespmem:s26+$0x1E0]  }
0xb6: {  	s26 =	sadd.s32 $0x200, s26;
	v4 =	vld [tilespmem:s11+$0x0];
	[tilespmem:s11+$0x180] =	vst v6;
	v6 =	vmul.f32 $1.131370830e+01, v8  }
0xb7: {  	[tilespmem:s11+$0x190] =	vst v5;
	v0 =	vmul.f32 $1.131370830e+01, v0  }
0xb8: {  	[tilespmem:s11+$0x1A0] =	vst v6;
	v1 =	vmul.f32 $1.131370830e+01, v1  }
0xb9: {  	[tilespmem:s11+$0x1B0] =	vst v0;
	v0 =	vmul.f32 $1.131370830e+01, v2  }
0xba: {  	[tilespmem:s11+$0x1C0] =	vst v1;
	v1 =	vmul.f32 $1.131370830e+01, v3  }
0xbb: {  	s12 =	sadd.s32 s7, s18;
	v2 =	vmul.f32 $1.131370830e+01, v4;
	[tilespmem:s11+$0x1D0] =	vst v0  }
0xbc: {  	s12 =	sshll.u32 s12, $0xB;
	[tilespmem:s11+$0x1E0] =	vst v1  }
0xbd: {  	s26 =	sadd.s32 s3, s12;
	[tilespmem:s11+$0x0] =	vst v2;
	s11 =	simm.s32 @!p0 $0x7  }
0xbe: {  	[hbm4b:s26+s5] =	stream.linear.scatter [tilespmem:s15], [sflag:$0x7], $0x4000, $0x38;
	[tilespmem:$0x15C00] =	vst v63  }
0xbf: {  	_ =	swait.ge @!p0 [sflag:s11], $0x4000  }
0xc0: {  	s12 =	simm.s32 @!p0 $0x80;
	[sflag:s11] =	ssyncset.done @!p0 $0x0  }
0xc1: {  	s26 =	simm.s32 @!p0 $0x5C00;
	[sflag:s11] =	ssyncadd.s32 @!p0 $0xFFFFC000;
	s11 =	sadd.s32 @!p0 $0x300, s6  }
0xc2: {  	[tilespmem:s26], [sflag:$0x2] =	stream.indirect.gather @!p0 [hbm4b:s2+s12], $0x80, s11, s12, $0xb8;
	[tilespmem:$0x15C00] =	vst v63  }
0xc3: {  	_ =	swait.ge [sflag:s23], $0x4000  }
0xc4: {  	[sflag:s23] =	ssyncset.done $0x0  }
0xc5: {  	s11 =	simm.s32 $0x9C00;
	[sflag:s23] =	ssyncadd.s32 $0xFFFFC000  }
0xc6: {  	v0 =	vld [tilespmem:s11+$0x1F0]  }
0xc7: {  	v1 =	vld [tilespmem:s11+$0x10]  }
0xc8: {  	v2 =	vld [tilespmem:s11+$0x20]  }
0xc9: {  	v3 =	vld [tilespmem:s11+$0x30]  }
0xca: {  	v6 =	vld [tilespmem:s11+$0x60]  }
0xcb: {  	v4 =	vld [tilespmem:s11+$0x40]  }
0xcc: {  	v5 =	vld [tilespmem:s11+$0x50];
	v0 =	vmul.f32 $1.131370830e+01, v0  }
0xcd: {  	v8 =	vld [tilespmem:s11+$0x80];
	v1 =	vmul.f32 $1.131370830e+01, v1  }
0xce: {  	v7 =	vld [tilespmem:s11+$0x70];
	v2 =	vmul.f32 $1.131370830e+01, v2;
	[tilespmem:s11+$0x1F0] =	vst v0  }
0xcf: {  	v6 =	vmul.f32 $1.131370830e+01, v6;
	v0 =	vld [tilespmem:s11+$0x90];
	[tilespmem:s11+$0x10] =	vst v1  }
0xd0: {  	v1 =	vmul.f32 $1.131370830e+01, v3;
	v3 =	vld [tilespmem:s11+$0xA0];
	[tilespmem:s11+$0x20] =	vst v2;
	v2 =	vmul.f32 $1.131370830e+01, v4  }
0xd1: {  	[tilespmem:s11+$0x60] =	vst v6;
	v6 =	vld [tilespmem:s11+$0xF0]  }
0xd2: {  	v4 =	vld [tilespmem:s11+$0xB0];
	[tilespmem:s11+$0x40] =	vst v2;
	v2 =	vmul.f32 $1.131370830e+01, v8  }
0xd3: {  	[tilespmem:s11+$0x30] =	vst v1;
	v1 =	vmul.f32 $1.131370830e+01, v5;
	v5 =	vld [tilespmem:s11+$0xC0]  }
0xd4: {  	v8 =	vld [tilespmem:s11+$0xD0];
	[tilespmem:s11+$0x80] =	vst v2;
	v2 =	vmul.f32 $1.131370830e+01, v7  }
0xd5: {  	[tilespmem:s11+$0x50] =	vst v1;
	v1 =	vld [tilespmem:s11+$0xE0];
	v0 =	vmul.f32 $1.131370830e+01, v0  }
0xd6: {  	v7 =	vld [tilespmem:s11+$0x130];
	v6 =	vmul.f32 $1.131370830e+01, v6;
	[tilespmem:s11+$0x70] =	vst v2  }
0xd7: {  	v2 =	vmul.f32 $1.131370830e+01, v3;
	v3 =	vld [tilespmem:s11+$0x100];
	[tilespmem:s11+$0x90] =	vst v0  }
0xd8: {  	v0 =	vmul.f32 $1.131370830e+01, v4;
	v4 =	vld [tilespmem:s11+$0x110];
	[tilespmem:s11+$0xF0] =	vst v6  }
0xd9: {  	[tilespmem:s11+$0xA0] =	vst v2;
	v2 =	vmul.f32 $1.131370830e+01, v5;
	v5 =	vld [tilespmem:s11+$0x120]  }
0xda: {  	v6 =	vld [tilespmem:s11+$0x180];
	[tilespmem:s11+$0xB0] =	vst v0;
	v0 =	vmul.f32 $1.131370830e+01, v8  }
0xdb: {  	v1 =	vmul.f32 $1.131370830e+01, v1;
	[tilespmem:s11+$0xC0] =	vst v2;
	v2 =	vld [tilespmem:s11+$0x140]  }
0xdc: {  	[tilespmem:s11+$0xD0] =	vst v0;
	v0 =	vmul.f32 $1.131370830e+01, v3  }
0xdd: {  	v3 =	vld [tilespmem:s11+$0x150];
	[tilespmem:s11+$0xE0] =	vst v1;
	v4 =	vmul.f32 $1.131370830e+01, v4  }
0xde: {  	v1 =	vld [tilespmem:s11+$0x160];
	[tilespmem:s11+$0x100] =	vst v0;
	v0 =	vmul.f32 $1.131370830e+01, v5  }
0xdf: {  	v6 =	vmul.f32 $1.131370830e+01, v6;
	v5 =	vld [tilespmem:s11+$0x170];
	[tilespmem:s11+$0x110] =	vst v4  }
0xe0: {  	v4 =	vmul.f32 $1.131370830e+01, v7;
	v7 =	vld [tilespmem:s11+$0x190];
	[tilespmem:s11+$0x120] =	vst v0;
	v0 =	vmul.f32 $1.131370830e+01, v2  }
0xe1: {  	v8 =	vld [tilespmem:s11+$0x1A0];
	[tilespmem:s11+$0x180] =	vst v6  }
0xe2: {  	v2 =	vmul.f32 $1.131370830e+01, v3;
	[tilespmem:s11+$0x140] =	vst v0;
	v0 =	vld [tilespmem:s11+$0x1B0]  }
0xe3: {  	[tilespmem:s11+$0x130] =	vst v4;
	v3 =	vmul.f32 $1.131370830e+01, v1;
	v1 =	vld [tilespmem:s11+$0x1C0]  }
0xe4: {  	[tilespmem:s11+$0x150] =	vst v2;
	v4 =	vmul.f32 $1.131370830e+01, v5;
	v2 =	vld [tilespmem:s11+$0x1D0]  }
0xe5: {  	[tilespmem:s11+$0x160] =	vst v3;
	v3 =	vld [tilespmem:s11+$0x1E0];
	v5 =	vmul.f32 $1.131370830e+01, v7  }
0xe6: {  	s12 =	simm.s32 $0x0;
	s26 =	simm.s32 $0x9E00;
	v6 =	vmul.f32 $1.131370830e+01, v8;
	[tilespmem:s11+$0x170] =	vst v4;
	v4 =	vld [tilespmem:s11+$0x0]  }
.LBB2_7:
0xe7: {  	v7 =	vld [tilespmem:s26+$0x1F0];
	s12 =	sadd.s32 $0x4, s12;
	[tilespmem:s11+$0x190] =	vst v5;
	v0 =	vmul.f32 $1.131370830e+01, v0  }
0xe8: {  	v5 =	vld [tilespmem:s26+$0x10];
	p1 =	slt.u32 s12, $0x7C;
	[tilespmem:s11+$0x1A0] =	vst v6;
	v1 =	vmul.f32 $1.131370830e+01, v1  }
0xe9: {  	v6 =	vld [tilespmem:s26+$0x20];
	[tilespmem:s11+$0x1B0] =	vst v0;
	v0 =	vmul.f32 $1.131370830e+01, v2  }
0xea: {  	v2 =	vld [tilespmem:s26+$0x30];
	[tilespmem:s11+$0x1C0] =	vst v1;
	v1 =	vmul.f32 $1.131370830e+01, v3  }
0xeb: {  	v3 =	vld [tilespmem:s26+$0x40];
	v4 =	vmul.f32 $1.131370830e+01, v4;
	[tilespmem:s11+$0x1D0] =	vst v0  }
0xec: {  	v0 =	vld [tilespmem:s26+$0x50];
	v7 =	vmul.f32 $1.131370830e+01, v7;
	[tilespmem:s11+$0x1E0] =	vst v1  }
0xed: {  	v1 =	vmul.f32 $1.131370830e+01, v5;
	v5 =	vld [tilespmem:s26+$0x60];
	[tilespmem:s11+$0x0] =	vst v4;
	s11 =	smov.u32 s26  }
0xee: {  	v4 =	vmul.f32 $1.131370830e+01, v6;
	v6 =	vld [tilespmem:s26+$0x70];
	[tilespmem:s26+$0x1F0] =	vst v7  }
0xef: {  	[tilespmem:s26+$0x10] =	vst v1;
	v1 =	vmul.f32 $1.131370830e+01, v2;
	v2 =	vld [tilespmem:s26+$0x80]  }
0xf0: {  	[tilespmem:s26+$0x20] =	vst v4;
	v3 =	vmul.f32 $1.131370830e+01, v3;
	v4 =	vld [tilespmem:s26+$0x90]  }
0xf1: {  	[tilespmem:s26+$0x30] =	vst v1;
	v0 =	vmul.f32 $1.131370830e+01, v0;
	v1 =	vld [tilespmem:s26+$0xA0]  }
0xf2: {  	[tilespmem:s26+$0x40] =	vst v3;
	v3 =	vmul.f32 $1.131370830e+01, v5;
	v5 =	vld [tilespmem:s26+$0xB0]  }
0xf3: {  	[tilespmem:s26+$0x50] =	vst v0;
	v0 =	vmul.f32 $1.131370830e+01, v6;
	v6 =	vld [tilespmem:s26+$0xC0]  }
0xf4: {  	[tilespmem:s26+$0x60] =	vst v3;
	v2 =	vmul.f32 $1.131370830e+01, v2;
	v3 =	vld [tilespmem:s26+$0xD0]  }
0xf5: {  	[tilespmem:s26+$0x70] =	vst v0;
	v0 =	vmul.f32 $1.131370830e+01, v4;
	v4 =	vld [tilespmem:s26+$0xE0]  }
0xf6: {  	[tilespmem:s26+$0x80] =	vst v2;
	v1 =	vmul.f32 $1.131370830e+01, v1;
	v2 =	vld [tilespmem:s26+$0xF0]  }
0xf7: {  	[tilespmem:s26+$0x90] =	vst v0;
	v0 =	vmul.f32 $1.131370830e+01, v5;
	v5 =	vld [tilespmem:s26+$0x100]  }
0xf8: {  	[tilespmem:s26+$0xA0] =	vst v1;
	v1 =	vmul.f32 $1.131370830e+01, v6;
	v6 =	vld [tilespmem:s26+$0x110]  }
0xf9: {  	[tilespmem:s26+$0xB0] =	vst v0;
	v0 =	vmul.f32 $1.131370830e+01, v3;
	v3 =	vld [tilespmem:s26+$0x120]  }
0xfa: {  	[tilespmem:s26+$0xC0] =	vst v1;
	v1 =	vmul.f32 $1.131370830e+01, v4;
	v4 =	vld [tilespmem:s26+$0x130]  }
0xfb: {  	[tilespmem:s26+$0xD0] =	vst v0;
	v0 =	vmul.f32 $1.131370830e+01, v2;
	v2 =	vld [tilespmem:s26+$0x140]  }
0xfc: {  	[tilespmem:s26+$0xE0] =	vst v1;
	v1 =	vmul.f32 $1.131370830e+01, v5;
	v5 =	vld [tilespmem:s26+$0x150]  }
0xfd: {  	[tilespmem:s26+$0xF0] =	vst v0;
	v0 =	vmul.f32 $1.131370830e+01, v6;
	v6 =	vld [tilespmem:s26+$0x160]  }
0xfe: {  	[tilespmem:s26+$0x100] =	vst v1;
	v1 =	vmul.f32 $1.131370830e+01, v3;
	v3 =	vld [tilespmem:s26+$0x170]  }
0xff: {  	[tilespmem:s26+$0x110] =	vst v0;
	v0 =	vmul.f32 $1.131370830e+01, v4;
	v4 =	vld [tilespmem:s26+$0x180]  }
0x100: {  	[tilespmem:s26+$0x120] =	vst v1;
	v1 =	vmul.f32 $1.131370830e+01, v2;
	v7 =	vld [tilespmem:s26+$0x190]  }
0x101: {  	[tilespmem:s26+$0x130] =	vst v0;
	v2 =	vmul.f32 $1.131370830e+01, v5;
	v8 =	vld [tilespmem:s26+$0x1A0]  }
.Ltmp2:
0x102: {  	[tilespmem:s26+$0x140] =	vst v1;
	v5 =	vmul.f32 $1.131370830e+01, v6;
	v0 =	vld [tilespmem:s26+$0x1B0];
	(pc) =	sbr.rel @p1 .LBB2_7-.Ltmp2, $4  }
0x103: {  	[tilespmem:s26+$0x150] =	vst v2;
	v3 =	vmul.f32 $1.131370830e+01, v3;
	v1 =	vld [tilespmem:s26+$0x1C0]  }
0x104: {  	[tilespmem:s26+$0x160] =	vst v5;
	v6 =	vmul.f32 $1.131370830e+01, v4;
	v2 =	vld [tilespmem:s26+$0x1D0]  }
0x105: {  	[tilespmem:s26+$0x170] =	vst v3;
	v5 =	vmul.f32 $1.131370830e+01, v7;
	v3 =	vld [tilespmem:s26+$0x1E0]  }
0x106: {  	s26 =	sadd.s32 $0x200, s26;
	v4 =	vld [tilespmem:s11+$0x0];
	[tilespmem:s11+$0x180] =	vst v6;
	v6 =	vmul.f32 $1.131370830e+01, v8  }
0x107: {  	[tilespmem:s11+$0x190] =	vst v5;
	v0 =	vmul.f32 $1.131370830e+01, v0  }
0x108: {  	[tilespmem:s11+$0x1A0] =	vst v6;
	v1 =	vmul.f32 $1.131370830e+01, v1  }
0x109: {  	[tilespmem:s11+$0x1B0] =	vst v0;
	v0 =	vmul.f32 $1.131370830e+01, v2  }
0x10a: {  	[tilespmem:s11+$0x1C0] =	vst v1;
	v1 =	vmul.f32 $1.131370830e+01, v3  }
0x10b: {  	s12 =	sadd.s32 s8, s18;
	v2 =	vmul.f32 $1.131370830e+01, v4;
	[tilespmem:s11+$0x1D0] =	vst v0  }
0x10c: {  	s12 =	sshll.u32 s12, $0xB;
	[tilespmem:s11+$0x1E0] =	vst v1  }
0x10d: {  	s26 =	sadd.s32 s3, s12;
	[tilespmem:s11+$0x0] =	vst v2;
	s11 =	simm.s32 @!p0 $0x8  }
0x10e: {  	[hbm4b:s26+s5] =	stream.linear.scatter [tilespmem:s17], [sflag:$0x8], $0x4000, $0x38;
	[tilespmem:$0x15C00] =	vst v63  }
0x10f: {  	_ =	swait.ge @!p0 [sflag:s11], $0x4000  }
0x110: {  	s12 =	simm.s32 @!p0 $0x80;
	[sflag:s11] =	ssyncset.done @!p0 $0x0  }
0x111: {  	s26 =	simm.s32 @!p0 $0x9C00;
	[sflag:s11] =	ssyncadd.s32 @!p0 $0xFFFFC000;
	s11 =	sadd.s32 @!p0 $0x380, s6  }
0x112: {  	[tilespmem:s26], [sflag:$0x3] =	stream.indirect.gather @!p0 [hbm4b:s2+s12], $0x80, s11, s12, $0xb8;
	[tilespmem:$0x15C00] =	vst v63  }
0x113: {  	_ =	swait.ge [sflag:s24], $0x4000  }
0x114: {  	[sflag:s24] =	ssyncset.done $0x0  }
0x115: {  	s11 =	simm.s32 $0xDC00;
	[sflag:s24] =	ssyncadd.s32 $0xFFFFC000  }
0x116: {  	v0 =	vld [tilespmem:s11+$0x1F0]  }
0x117: {  	v1 =	vld [tilespmem:s11+$0x10]  }
0x118: {  	v2 =	vld [tilespmem:s11+$0x20]  }
0x119: {  	v3 =	vld [tilespmem:s11+$0x30]  }
0x11a: {  	v6 =	vld [tilespmem:s11+$0x60]  }
0x11b: {  	v4 =	vld [tilespmem:s11+$0x40]  }
0x11c: {  	v5 =	vld [tilespmem:s11+$0x50];
	v0 =	vmul.f32 $1.131370830e+01, v0  }
0x11d: {  	v8 =	vld [tilespmem:s11+$0x80];
	v1 =	vmul.f32 $1.131370830e+01, v1  }
0x11e: {  	v7 =	vld [tilespmem:s11+$0x70];
	v2 =	vmul.f32 $1.131370830e+01, v2;
	[tilespmem:s11+$0x1F0] =	vst v0  }
0x11f: {  	v6 =	vmul.f32 $1.131370830e+01, v6;
	v0 =	vld [tilespmem:s11+$0x90];
	[tilespmem:s11+$0x10] =	vst v1  }
0x120: {  	v1 =	vmul.f32 $1.131370830e+01, v3;
	v3 =	vld [tilespmem:s11+$0xA0];
	[tilespmem:s11+$0x20] =	vst v2;
	v2 =	vmul.f32 $1.131370830e+01, v4  }
0x121: {  	[tilespmem:s11+$0x60] =	vst v6;
	v6 =	vld [tilespmem:s11+$0xF0]  }
0x122: {  	v4 =	vld [tilespmem:s11+$0xB0];
	[tilespmem:s11+$0x40] =	vst v2;
	v2 =	vmul.f32 $1.131370830e+01, v8  }
0x123: {  	[tilespmem:s11+$0x30] =	vst v1;
	v1 =	vmul.f32 $1.131370830e+01, v5;
	v5 =	vld [tilespmem:s11+$0xC0]  }
0x124: {  	v8 =	vld [tilespmem:s11+$0xD0];
	[tilespmem:s11+$0x80] =	vst v2;
	v2 =	vmul.f32 $1.131370830e+01, v7  }
0x125: {  	[tilespmem:s11+$0x50] =	vst v1;
	v1 =	vld [tilespmem:s11+$0xE0];
	v0 =	vmul.f32 $1.131370830e+01, v0  }
0x126: {  	v7 =	vld [tilespmem:s11+$0x130];
	v6 =	vmul.f32 $1.131370830e+01, v6;
	[tilespmem:s11+$0x70] =	vst v2  }
0x127: {  	v2 =	vmul.f32 $1.131370830e+01, v3;
	v3 =	vld [tilespmem:s11+$0x100];
	[tilespmem:s11+$0x90] =	vst v0  }
0x128: {  	v0 =	vmul.f32 $1.131370830e+01, v4;
	v4 =	vld [tilespmem:s11+$0x110];
	[tilespmem:s11+$0xF0] =	vst v6  }
0x129: {  	[tilespmem:s11+$0xA0] =	vst v2;
	v2 =	vmul.f32 $1.131370830e+01, v5;
	v5 =	vld [tilespmem:s11+$0x120]  }
0x12a: {  	v6 =	vld [tilespmem:s11+$0x180];
	[tilespmem:s11+$0xB0] =	vst v0;
	v0 =	vmul.f32 $1.131370830e+01, v8  }
0x12b: {  	v1 =	vmul.f32 $1.131370830e+01, v1;
	[tilespmem:s11+$0xC0] =	vst v2;
	v2 =	vld [tilespmem:s11+$0x140]  }
0x12c: {  	[tilespmem:s11+$0xD0] =	vst v0;
	v0 =	vmul.f32 $1.131370830e+01, v3  }
0x12d: {  	v3 =	vld [tilespmem:s11+$0x150];
	[tilespmem:s11+$0xE0] =	vst v1;
	v4 =	vmul.f32 $1.131370830e+01, v4  }
0x12e: {  	v1 =	vld [tilespmem:s11+$0x160];
	[tilespmem:s11+$0x100] =	vst v0;
	v0 =	vmul.f32 $1.131370830e+01, v5  }
0x12f: {  	v6 =	vmul.f32 $1.131370830e+01, v6;
	v5 =	vld [tilespmem:s11+$0x170];
	[tilespmem:s11+$0x110] =	vst v4  }
0x130: {  	v4 =	vmul.f32 $1.131370830e+01, v7;
	v7 =	vld [tilespmem:s11+$0x190];
	[tilespmem:s11+$0x120] =	vst v0;
	v0 =	vmul.f32 $1.131370830e+01, v2  }
0x131: {  	v8 =	vld [tilespmem:s11+$0x1A0];
	[tilespmem:s11+$0x180] =	vst v6  }
0x132: {  	v2 =	vmul.f32 $1.131370830e+01, v3;
	[tilespmem:s11+$0x140] =	vst v0;
	v0 =	vld [tilespmem:s11+$0x1B0]  }
0x133: {  	[tilespmem:s11+$0x130] =	vst v4;
	v3 =	vmul.f32 $1.131370830e+01, v1;
	v1 =	vld [tilespmem:s11+$0x1C0]  }
0x134: {  	[tilespmem:s11+$0x150] =	vst v2;
	v4 =	vmul.f32 $1.131370830e+01, v5;
	v2 =	vld [tilespmem:s11+$0x1D0]  }
0x135: {  	[tilespmem:s11+$0x160] =	vst v3;
	v3 =	vld [tilespmem:s11+$0x1E0];
	v5 =	vmul.f32 $1.131370830e+01, v7  }
0x136: {  	s12 =	simm.s32 $0x0;
	s26 =	simm.s32 $0xDE00;
	v6 =	vmul.f32 $1.131370830e+01, v8;
	[tilespmem:s11+$0x170] =	vst v4;
	v4 =	vld [tilespmem:s11+$0x0]  }
.LBB2_9:
0x137: {  	v7 =	vld [tilespmem:s26+$0x1F0];
	s12 =	sadd.s32 $0x4, s12;
	[tilespmem:s11+$0x190] =	vst v5;
	v0 =	vmul.f32 $1.131370830e+01, v0  }
0x138: {  	v5 =	vld [tilespmem:s26+$0x10];
	p1 =	slt.u32 s12, $0x7C;
	[tilespmem:s11+$0x1A0] =	vst v6;
	v1 =	vmul.f32 $1.131370830e+01, v1  }
0x139: {  	v6 =	vld [tilespmem:s26+$0x20];
	[tilespmem:s11+$0x1B0] =	vst v0;
	v0 =	vmul.f32 $1.131370830e+01, v2  }
0x13a: {  	v2 =	vld [tilespmem:s26+$0x30];
	[tilespmem:s11+$0x1C0] =	vst v1;
	v1 =	vmul.f32 $1.131370830e+01, v3  }
0x13b: {  	v3 =	vld [tilespmem:s26+$0x40];
	v4 =	vmul.f32 $1.131370830e+01, v4;
	[tilespmem:s11+$0x1D0] =	vst v0  }
0x13c: {  	v0 =	vld [tilespmem:s26+$0x50];
	v7 =	vmul.f32 $1.131370830e+01, v7;
	[tilespmem:s11+$0x1E0] =	vst v1  }
0x13d: {  	v1 =	vmul.f32 $1.131370830e+01, v5;
	v5 =	vld [tilespmem:s26+$0x60];
	[tilespmem:s11+$0x0] =	vst v4;
	s11 =	smov.u32 s26  }
0x13e: {  	v4 =	vmul.f32 $1.131370830e+01, v6;
	v6 =	vld [tilespmem:s26+$0x70];
	[tilespmem:s26+$0x1F0] =	vst v7  }
0x13f: {  	[tilespmem:s26+$0x10] =	vst v1;
	v1 =	vmul.f32 $1.131370830e+01, v2;
	v2 =	vld [tilespmem:s26+$0x80]  }
0x140: {  	[tilespmem:s26+$0x20] =	vst v4;
	v3 =	vmul.f32 $1.131370830e+01, v3;
	v4 =	vld [tilespmem:s26+$0x90]  }
0x141: {  	[tilespmem:s26+$0x30] =	vst v1;
	v0 =	vmul.f32 $1.131370830e+01, v0;
	v1 =	vld [tilespmem:s26+$0xA0]  }
0x142: {  	[tilespmem:s26+$0x40] =	vst v3;
	v3 =	vmul.f32 $1.131370830e+01, v5;
	v5 =	vld [tilespmem:s26+$0xB0]  }
0x143: {  	[tilespmem:s26+$0x50] =	vst v0;
	v0 =	vmul.f32 $1.131370830e+01, v6;
	v6 =	vld [tilespmem:s26+$0xC0]  }
0x144: {  	[tilespmem:s26+$0x60] =	vst v3;
	v2 =	vmul.f32 $1.131370830e+01, v2;
	v3 =	vld [tilespmem:s26+$0xD0]  }
0x145: {  	[tilespmem:s26+$0x70] =	vst v0;
	v0 =	vmul.f32 $1.131370830e+01, v4;
	v4 =	vld [tilespmem:s26+$0xE0]  }
0x146: {  	[tilespmem:s26+$0x80] =	vst v2;
	v1 =	vmul.f32 $1.131370830e+01, v1;
	v2 =	vld [tilespmem:s26+$0xF0]  }
0x147: {  	[tilespmem:s26+$0x90] =	vst v0;
	v0 =	vmul.f32 $1.131370830e+01, v5;
	v5 =	vld [tilespmem:s26+$0x100]  }
0x148: {  	[tilespmem:s26+$0xA0] =	vst v1;
	v1 =	vmul.f32 $1.131370830e+01, v6;
	v6 =	vld [tilespmem:s26+$0x110]  }
0x149: {  	[tilespmem:s26+$0xB0] =	vst v0;
	v0 =	vmul.f32 $1.131370830e+01, v3;
	v3 =	vld [tilespmem:s26+$0x120]  }
0x14a: {  	[tilespmem:s26+$0xC0] =	vst v1;
	v1 =	vmul.f32 $1.131370830e+01, v4;
	v4 =	vld [tilespmem:s26+$0x130]  }
0x14b: {  	[tilespmem:s26+$0xD0] =	vst v0;
	v0 =	vmul.f32 $1.131370830e+01, v2;
	v2 =	vld [tilespmem:s26+$0x140]  }
0x14c: {  	[tilespmem:s26+$0xE0] =	vst v1;
	v1 =	vmul.f32 $1.131370830e+01, v5;
	v5 =	vld [tilespmem:s26+$0x150]  }
0x14d: {  	[tilespmem:s26+$0xF0] =	vst v0;
	v0 =	vmul.f32 $1.131370830e+01, v6;
	v6 =	vld [tilespmem:s26+$0x160]  }
0x14e: {  	[tilespmem:s26+$0x100] =	vst v1;
	v1 =	vmul.f32 $1.131370830e+01, v3;
	v3 =	vld [tilespmem:s26+$0x170]  }
0x14f: {  	[tilespmem:s26+$0x110] =	vst v0;
	v0 =	vmul.f32 $1.131370830e+01, v4;
	v4 =	vld [tilespmem:s26+$0x180]  }
0x150: {  	[tilespmem:s26+$0x120] =	vst v1;
	v1 =	vmul.f32 $1.131370830e+01, v2;
	v7 =	vld [tilespmem:s26+$0x190]  }
0x151: {  	[tilespmem:s26+$0x130] =	vst v0;
	v2 =	vmul.f32 $1.131370830e+01, v5;
	v8 =	vld [tilespmem:s26+$0x1A0]  }
.Ltmp3:
0x152: {  	[tilespmem:s26+$0x140] =	vst v1;
	v5 =	vmul.f32 $1.131370830e+01, v6;
	v0 =	vld [tilespmem:s26+$0x1B0];
	(pc) =	sbr.rel @p1 .LBB2_9-.Ltmp3, $4  }
0x153: {  	[tilespmem:s26+$0x150] =	vst v2;
	v3 =	vmul.f32 $1.131370830e+01, v3;
	v1 =	vld [tilespmem:s26+$0x1C0]  }
0x154: {  	[tilespmem:s26+$0x160] =	vst v5;
	v6 =	vmul.f32 $1.131370830e+01, v4;
	v2 =	vld [tilespmem:s26+$0x1D0]  }
0x155: {  	[tilespmem:s26+$0x170] =	vst v3;
	v5 =	vmul.f32 $1.131370830e+01, v7;
	v3 =	vld [tilespmem:s26+$0x1E0]  }
0x156: {  	s26 =	sadd.s32 $0x200, s26;
	v4 =	vld [tilespmem:s11+$0x0];
	[tilespmem:s11+$0x180] =	vst v6;
	v6 =	vmul.f32 $1.131370830e+01, v8  }
0x157: {  	[tilespmem:s11+$0x190] =	vst v5;
	v0 =	vmul.f32 $1.131370830e+01, v0  }
0x158: {  	[tilespmem:s11+$0x1A0] =	vst v6;
	v1 =	vmul.f32 $1.131370830e+01, v1  }
0x159: {  	[tilespmem:s11+$0x1B0] =	vst v0;
	v0 =	vmul.f32 $1.131370830e+01, v2  }
0x15a: {  	[tilespmem:s11+$0x1C0] =	vst v1;
	v1 =	vmul.f32 $1.131370830e+01, v3  }
0x15b: {  	s12 =	sadd.s32 s9, s18;
	v2 =	vmul.f32 $1.131370830e+01, v4;
	[tilespmem:s11+$0x1D0] =	vst v0  }
0x15c: {  	s12 =	sshll.u32 s12, $0xB;
	[tilespmem:s11+$0x1E0] =	vst v1  }
0x15d: {  	s26 =	sadd.s32 s3, s12;
	[tilespmem:s11+$0x0] =	vst v2;
	s11 =	simm.s32 @!p0 $0x9  }
0x15e: {  	[hbm4b:s26+s5] =	stream.linear.scatter [tilespmem:s19], [sflag:$0x9], $0x4000, $0x38;
	[tilespmem:$0x15C00] =	vst v63  }
0x15f: {  	_ =	swait.ge @!p0 [sflag:s11], $0x4000  }
0x160: {  	s6 =	sadd.s32 @!p0 $0x400, s6;
	[sflag:s11] =	ssyncset.done @!p0 $0x0  }
0x161: {  	s12 =	simm.s32 @!p0 $0xDC00;
	[sflag:s11] =	ssyncadd.s32 @!p0 $0xFFFFC000;
	s11 =	simm.s32 @!p0 $0x80  }
0x162: {  	[tilespmem:s12], [sflag:$0x4] =	stream.indirect.gather @!p0 [hbm4b:s2+s11], $0x80, s6, s11, $0xb8;
	[tilespmem:$0x15C00] =	vst v63  }
0x163: {  	_ =	swait.ge [sflag:s25], $0x4000  }
0x164: {  	[sflag:s25] =	ssyncset.done $0x0  }
0x165: {  	s6 =	simm.s32 $0x11C00;
	[sflag:s25] =	ssyncadd.s32 $0xFFFFC000  }
0x166: {  	v0 =	vld [tilespmem:s6+$0x1F0]  }
0x167: {  	v1 =	vld [tilespmem:s6+$0x10]  }
0x168: {  	v2 =	vld [tilespmem:s6+$0x20]  }
0x169: {  	v3 =	vld [tilespmem:s6+$0x30]  }
0x16a: {  	v6 =	vld [tilespmem:s6+$0x60]  }
0x16b: {  	v4 =	vld [tilespmem:s6+$0x40]  }
0x16c: {  	v5 =	vld [tilespmem:s6+$0x50];
	v0 =	vmul.f32 $1.131370830e+01, v0  }
0x16d: {  	v8 =	vld [tilespmem:s6+$0x80];
	v1 =	vmul.f32 $1.131370830e+01, v1  }
0x16e: {  	v7 =	vld [tilespmem:s6+$0x70];
	v2 =	vmul.f32 $1.131370830e+01, v2;
	[tilespmem:s6+$0x1F0] =	vst v0  }
0x16f: {  	v6 =	vmul.f32 $1.131370830e+01, v6;
	v0 =	vld [tilespmem:s6+$0x90];
	[tilespmem:s6+$0x10] =	vst v1  }
0x170: {  	v1 =	vmul.f32 $1.131370830e+01, v3;
	v3 =	vld [tilespmem:s6+$0xA0];
	[tilespmem:s6+$0x20] =	vst v2;
	v2 =	vmul.f32 $1.131370830e+01, v4  }
0x171: {  	[tilespmem:s6+$0x60] =	vst v6;
	v6 =	vld [tilespmem:s6+$0xF0]  }
0x172: {  	v4 =	vld [tilespmem:s6+$0xB0];
	[tilespmem:s6+$0x40] =	vst v2;
	v2 =	vmul.f32 $1.131370830e+01, v8  }
0x173: {  	[tilespmem:s6+$0x30] =	vst v1;
	v1 =	vmul.f32 $1.131370830e+01, v5;
	v5 =	vld [tilespmem:s6+$0xC0]  }
0x174: {  	v8 =	vld [tilespmem:s6+$0xD0];
	[tilespmem:s6+$0x80] =	vst v2;
	v2 =	vmul.f32 $1.131370830e+01, v7  }
0x175: {  	[tilespmem:s6+$0x50] =	vst v1;
	v1 =	vld [tilespmem:s6+$0xE0];
	v0 =	vmul.f32 $1.131370830e+01, v0  }
0x176: {  	v7 =	vld [tilespmem:s6+$0x130];
	v6 =	vmul.f32 $1.131370830e+01, v6;
	[tilespmem:s6+$0x70] =	vst v2  }
0x177: {  	v2 =	vmul.f32 $1.131370830e+01, v3;
	v3 =	vld [tilespmem:s6+$0x100];
	[tilespmem:s6+$0x90] =	vst v0  }
0x178: {  	v0 =	vmul.f32 $1.131370830e+01, v4;
	v4 =	vld [tilespmem:s6+$0x110];
	[tilespmem:s6+$0xF0] =	vst v6  }
0x179: {  	[tilespmem:s6+$0xA0] =	vst v2;
	v2 =	vmul.f32 $1.131370830e+01, v5;
	v5 =	vld [tilespmem:s6+$0x120]  }
0x17a: {  	v6 =	vld [tilespmem:s6+$0x180];
	[tilespmem:s6+$0xB0] =	vst v0;
	v0 =	vmul.f32 $1.131370830e+01, v8  }
0x17b: {  	v1 =	vmul.f32 $1.131370830e+01, v1;
	[tilespmem:s6+$0xC0] =	vst v2;
	v2 =	vld [tilespmem:s6+$0x140]  }
0x17c: {  	[tilespmem:s6+$0xD0] =	vst v0;
	v0 =	vmul.f32 $1.131370830e+01, v3  }
0x17d: {  	v3 =	vld [tilespmem:s6+$0x150];
	[tilespmem:s6+$0xE0] =	vst v1;
	v4 =	vmul.f32 $1.131370830e+01, v4  }
0x17e: {  	v1 =	vld [tilespmem:s6+$0x160];
	[tilespmem:s6+$0x100] =	vst v0;
	v0 =	vmul.f32 $1.131370830e+01, v5  }
0x17f: {  	v6 =	vmul.f32 $1.131370830e+01, v6;
	v5 =	vld [tilespmem:s6+$0x170];
	[tilespmem:s6+$0x110] =	vst v4  }
0x180: {  	v4 =	vmul.f32 $1.131370830e+01, v7;
	v7 =	vld [tilespmem:s6+$0x190];
	[tilespmem:s6+$0x120] =	vst v0;
	v0 =	vmul.f32 $1.131370830e+01, v2  }
0x181: {  	v8 =	vld [tilespmem:s6+$0x1A0];
	[tilespmem:s6+$0x180] =	vst v6  }
0x182: {  	v2 =	vmul.f32 $1.131370830e+01, v3;
	[tilespmem:s6+$0x140] =	vst v0;
	v0 =	vld [tilespmem:s6+$0x1B0]  }
0x183: {  	[tilespmem:s6+$0x130] =	vst v4;
	v3 =	vmul.f32 $1.131370830e+01, v1;
	v1 =	vld [tilespmem:s6+$0x1C0]  }
0x184: {  	[tilespmem:s6+$0x150] =	vst v2;
	v4 =	vmul.f32 $1.131370830e+01, v5;
	v2 =	vld [tilespmem:s6+$0x1D0]  }
0x185: {  	[tilespmem:s6+$0x160] =	vst v3;
	v3 =	vld [tilespmem:s6+$0x1E0];
	v5 =	vmul.f32 $1.131370830e+01, v7  }
0x186: {  	s11 =	simm.s32 $0x0;
	s12 =	simm.s32 $0x11E00;
	v6 =	vmul.f32 $1.131370830e+01, v8;
	[tilespmem:s6+$0x170] =	vst v4;
	v4 =	vld [tilespmem:s6+$0x0]  }
.LBB2_11:
0x187: {  	v7 =	vld [tilespmem:s12+$0x1F0];
	s11 =	sadd.s32 $0x4, s11;
	[tilespmem:s6+$0x190] =	vst v5;
	v0 =	vmul.f32 $1.131370830e+01, v0  }
0x188: {  	v5 =	vld [tilespmem:s12+$0x10];
	p0 =	slt.u32 s11, $0x7C;
	[tilespmem:s6+$0x1A0] =	vst v6;
	v1 =	vmul.f32 $1.131370830e+01, v1  }
0x189: {  	v6 =	vld [tilespmem:s12+$0x20];
	[tilespmem:s6+$0x1B0] =	vst v0;
	v0 =	vmul.f32 $1.131370830e+01, v2  }
0x18a: {  	v2 =	vld [tilespmem:s12+$0x30];
	[tilespmem:s6+$0x1C0] =	vst v1;
	v1 =	vmul.f32 $1.131370830e+01, v3  }
0x18b: {  	v3 =	vld [tilespmem:s12+$0x40];
	v4 =	vmul.f32 $1.131370830e+01, v4;
	[tilespmem:s6+$0x1D0] =	vst v0  }
0x18c: {  	v0 =	vld [tilespmem:s12+$0x50];
	v7 =	vmul.f32 $1.131370830e+01, v7;
	[tilespmem:s6+$0x1E0] =	vst v1  }
0x18d: {  	v1 =	vmul.f32 $1.131370830e+01, v5;
	v5 =	vld [tilespmem:s12+$0x60];
	[tilespmem:s6+$0x0] =	vst v4;
	s6 =	smov.u32 s12  }
0x18e: {  	v4 =	vmul.f32 $1.131370830e+01, v6;
	v6 =	vld [tilespmem:s12+$0x70];
	[tilespmem:s12+$0x1F0] =	vst v7  }
0x18f: {  	[tilespmem:s12+$0x10] =	vst v1;
	v1 =	vmul.f32 $1.131370830e+01, v2;
	v2 =	vld [tilespmem:s12+$0x80]  }
0x190: {  	[tilespmem:s12+$0x20] =	vst v4;
	v3 =	vmul.f32 $1.131370830e+01, v3;
	v4 =	vld [tilespmem:s12+$0x90]  }
0x191: {  	[tilespmem:s12+$0x30] =	vst v1;
	v0 =	vmul.f32 $1.131370830e+01, v0;
	v1 =	vld [tilespmem:s12+$0xA0]  }
0x192: {  	[tilespmem:s12+$0x40] =	vst v3;
	v3 =	vmul.f32 $1.131370830e+01, v5;
	v5 =	vld [tilespmem:s12+$0xB0]  }
0x193: {  	[tilespmem:s12+$0x50] =	vst v0;
	v0 =	vmul.f32 $1.131370830e+01, v6;
	v6 =	vld [tilespmem:s12+$0xC0]  }
0x194: {  	[tilespmem:s12+$0x60] =	vst v3;
	v2 =	vmul.f32 $1.131370830e+01, v2;
	v3 =	vld [tilespmem:s12+$0xD0]  }
0x195: {  	[tilespmem:s12+$0x70] =	vst v0;
	v0 =	vmul.f32 $1.131370830e+01, v4;
	v4 =	vld [tilespmem:s12+$0xE0]  }
0x196: {  	[tilespmem:s12+$0x80] =	vst v2;
	v1 =	vmul.f32 $1.131370830e+01, v1;
	v2 =	vld [tilespmem:s12+$0xF0]  }
0x197: {  	[tilespmem:s12+$0x90] =	vst v0;
	v0 =	vmul.f32 $1.131370830e+01, v5;
	v5 =	vld [tilespmem:s12+$0x100]  }
0x198: {  	[tilespmem:s12+$0xA0] =	vst v1;
	v1 =	vmul.f32 $1.131370830e+01, v6;
	v6 =	vld [tilespmem:s12+$0x110]  }
0x199: {  	[tilespmem:s12+$0xB0] =	vst v0;
	v0 =	vmul.f32 $1.131370830e+01, v3;
	v3 =	vld [tilespmem:s12+$0x120]  }
0x19a: {  	[tilespmem:s12+$0xC0] =	vst v1;
	v1 =	vmul.f32 $1.131370830e+01, v4;
	v4 =	vld [tilespmem:s12+$0x130]  }
0x19b: {  	[tilespmem:s12+$0xD0] =	vst v0;
	v0 =	vmul.f32 $1.131370830e+01, v2;
	v2 =	vld [tilespmem:s12+$0x140]  }
0x19c: {  	[tilespmem:s12+$0xE0] =	vst v1;
	v1 =	vmul.f32 $1.131370830e+01, v5;
	v5 =	vld [tilespmem:s12+$0x150]  }
0x19d: {  	[tilespmem:s12+$0xF0] =	vst v0;
	v0 =	vmul.f32 $1.131370830e+01, v6;
	v6 =	vld [tilespmem:s12+$0x160]  }
0x19e: {  	[tilespmem:s12+$0x100] =	vst v1;
	v1 =	vmul.f32 $1.131370830e+01, v3;
	v3 =	vld [tilespmem:s12+$0x170]  }
0x19f: {  	[tilespmem:s12+$0x110] =	vst v0;
	v0 =	vmul.f32 $1.131370830e+01, v4;
	v4 =	vld [tilespmem:s12+$0x180]  }
0x1a0: {  	[tilespmem:s12+$0x120] =	vst v1;
	v1 =	vmul.f32 $1.131370830e+01, v2;
	v7 =	vld [tilespmem:s12+$0x190]  }
0x1a1: {  	[tilespmem:s12+$0x130] =	vst v0;
	v2 =	vmul.f32 $1.131370830e+01, v5;
	v8 =	vld [tilespmem:s12+$0x1A0]  }
.Ltmp4:
0x1a2: {  	[tilespmem:s12+$0x140] =	vst v1;
	v5 =	vmul.f32 $1.131370830e+01, v6;
	v0 =	vld [tilespmem:s12+$0x1B0];
	(pc) =	sbr.rel @p0 .LBB2_11-.Ltmp4, $4  }
0x1a3: {  	[tilespmem:s12+$0x150] =	vst v2;
	v3 =	vmul.f32 $1.131370830e+01, v3;
	v1 =	vld [tilespmem:s12+$0x1C0]  }
0x1a4: {  	[tilespmem:s12+$0x160] =	vst v5;
	v6 =	vmul.f32 $1.131370830e+01, v4;
	v2 =	vld [tilespmem:s12+$0x1D0]  }
0x1a5: {  	[tilespmem:s12+$0x170] =	vst v3;
	v5 =	vmul.f32 $1.131370830e+01, v7;
	v3 =	vld [tilespmem:s12+$0x1E0]  }
0x1a6: {  	s12 =	sadd.s32 $0x200, s12;
	v4 =	vld [tilespmem:s6+$0x0];
	[tilespmem:s6+$0x180] =	vst v6;
	v6 =	vmul.f32 $1.131370830e+01, v8  }
0x1a7: {  	[tilespmem:s6+$0x190] =	vst v5;
	v0 =	vmul.f32 $1.131370830e+01, v0  }
0x1a8: {  	s0 =	sadd.s32 $0x1, s0;
	[tilespmem:s6+$0x1A0] =	vst v6;
	v1 =	vmul.f32 $1.131370830e+01, v1  }
0x1a9: {  	p0 =	sne.s32 s0, $0xA;
	[tilespmem:s6+$0x1B0] =	vst v0;
	v61 =	vmul.f32 $1.131370830e+01, v2  }
.Ltmp5:
0x1aa: {  	[tilespmem:s6+$0x1C0] =	vst v1;
	v62 =	vmul.f32 $1.131370830e+01, v3;
	(pc) =	sbr.rel @p0 .LBB2_2-.Ltmp5, $4  }
0x1ab: {  	v63 =	vmul.f32 $1.131370830e+01, v4;
	[tilespmem:s6+$0x1D0] =	vst v61  }
0x1ac: {  	s11 =	sshll.u32 s16, $0x10;
	[tilespmem:s6+$0x1E0] =	vst v62  }
0x1ad: {  	s26 =	sadd.s32 s11, s10;
	[tilespmem:s6+$0x0] =	vst v63  }
0x1ae: {  	[hbm4b:s26+s5] =	stream.linear.scatter [tilespmem:s20], [sflag:$0xA], $0x4000, $0x38;
	[tilespmem:$0x15C00] =	vst v63  }
0x1af: {  	s0 =	simm.s32 $0x6  }
0x1b0: {  	_ =	swait.ge [sflag:s0], $0x4000  }
0x1b1: {  	[sflag:s0] =	ssyncset.done $0x0  }
0x1b2: {  	[sflag:s0] =	ssyncadd.s32 $0xFFFFC000  }
0x1b3: {  	_ =	swait.ge [sflag:s28], $0x4000  }
0x1b4: {  	[sflag:s28] =	ssyncset.done $0x0  }
0x1b5: {  	[sflag:s28] =	ssyncadd.s32 $0xFFFFC000  }
0x1b6: {  	_ =	swait.ge [sflag:s29], $0x4000  }
0x1b7: {  	[sflag:s29] =	ssyncset.done $0x0  }
0x1b8: {  	[sflag:s29] =	ssyncadd.s32 $0xFFFFC000  }
0x1b9: {  	_ =	swait.ge [sflag:s30], $0x4000  }
0x1ba: {  	[sflag:s30] =	ssyncset.done $0x0  }
0x1bb: {  	[sflag:s30] =	ssyncadd.s32 $0xFFFFC000  }
0x1bc: {  	_ =	swait.ge [sflag:s31], $0x4000  }
0x1bd: {  	s1 =	sadd.s32 $0x1, s1;
	s26 =	rddreg [dreg:$0x5]  }
0x1be: {  	p0 =	sne.s32 s1, s26  }
.Ltmp6:
0x1bf: {  	_ = 	snop;
	(pc) =	sbr.rel @p0 .LBB2_1-.Ltmp6, $3  }
0x1c0: {  	_ =	sdelay $0x1  }
0x1c1: {  	[sflag:s31] =	ssyncset.done $0x0  }
0x1c2: {  	[sflag:s31] =	ssyncadd.s32 $0xFFFFC000  }
0x1c3: {  	_ =	sfence.sel $0x180000  }
0x1c4: {  	[bflag:$0x0] =	sbarrier.arrive $0xFFFF  }
0x1c5: {  	_ =	strace $0x90000047  }
0x1c6: {  	s0 =	stileid.u32;
	[bflag:$0x2] =	sbarrier.arrive $0xFFFF  }
0x1c7: {  	p0 =	sne.s32 s0, $0x0;
	s0 =	rddreg [dreg:$0x3]  }
0x1c8: {  	s0 =	sadd.s32 @!p0 $0x100000, s0  }
0x1c9: {  	[sflag:s0] =	ssyncadd.tile.s32 @!p0 $0x1;
	_ =	shalt  }
.Lfunc_end2:
_tile_overlayer_lowered:
.L_overlay_start_2:
0x1ca: {  	(tag) =	ssettag $0x2  }
0x1cb: {  	s0 =	rddreg [dreg:$0x0];
	s2 =	stileid.u32  }
0x1cc: {  	s1 =	rddreg [dreg:$0x1];
	p0 =	sne.s32 s2, $0x0  }
0x1cd: {  	s3 =	rddreg [dreg:$0x2];
	[bflag:$0x3] =	sbarrier.arrive $0xFFFF;
	s2 =	simm.s32 @!p0 $0x1C0B  }
0x1ce: {  	[timem:s3], [sflag:s2] =	dma.local @!p0 [hbm:s0], s1  }
0x1cf: {  	s0 =	simm.s32 @!p0 $0xB  }
0x1d0: {  	_ =	swait.ge @!p0 [sflag:s0], s1  }
0x1d1: {  	s1 =	ssub.s32 @!p0 $0x0, s1;
	[sflag:s0] =	ssyncset.done @!p0 $0x0  }
0x1d2: {  	[sflag:s0] =	ssyncadd.s32 @!p0 s1  }
0x1d3: {  	[bflag:$0x3] =	sbarrier.arrive $0xFFFF  }
0x1d4: {  	_ =	shalt  }

</sc_bundles>
